<compile_context>
chip_gen: v7x
topology: tpu7x:2x2x1
jax: 0.10.2.dev20260603
libtpu: 0.0.44.dev20260713+nightly
codegen_flags: <defaults>
</compile_context>

<pallas_src>
import functools

import jax
import jax.numpy as jnp
from jax import lax
from jax.experimental import pallas as pl
from jax.experimental.pallas import tpu as pltpu
from jax.experimental.pallas import tpu_sc as plsc

N = 50000
NX = 20
NY = 20
BLK = 256
BLKE = 512
NPAD = 50176
NBLK = NPAD // BLK
DIN = 256
DENC = 256
DOUT = 128
SENT = float(2 ** 23)

_NC = 2
_NS = 16
_NW = _NC * _NS
_CHUNK = 112


@functools.lru_cache(maxsize=None)
def _make_row_gather(n_rows, d):
    per_w = n_rows // _NW
    steps = per_w // _CHUNK
    mesh = plsc.VectorSubcoreMesh(core_axis_name="c", subcore_axis_name="s")

    @functools.partial(
        pl.kernel,
        mesh=mesh,
        out_type=jax.ShapeDtypeStruct((n_rows, d), jnp.float32),
        scratch_types=[
            pltpu.VMEM((_CHUNK,), jnp.int32),
            pltpu.VMEM((_CHUNK, d), jnp.float32),
            pltpu.SemaphoreType.DMA,
        ],
    )
    def gather(table_hbm, idx_hbm, out_hbm, idx_v, rows_v, sem):
        wid = lax.axis_index("s") * _NC + lax.axis_index("c")
        base = wid * per_w

        def body(i, carry):
            off = base + i * _CHUNK
            pltpu.sync_copy(idx_hbm.at[pl.ds(off, _CHUNK)], idx_v)
            pltpu.async_copy(table_hbm.at[idx_v], rows_v, sem).wait()
            pltpu.sync_copy(rows_v, out_hbm.at[pl.ds(off, _CHUNK)])
            return carry

        lax.fori_loop(0, steps, body, 0)

    return gather


@functools.lru_cache(maxsize=None)
def _make_row_scatter(n_rows, d):
    per_w = n_rows // _NW
    steps = per_w // _CHUNK
    mesh = plsc.VectorSubcoreMesh(core_axis_name="c", subcore_axis_name="s")

    @functools.partial(
        pl.kernel,
        mesh=mesh,
        out_type=jax.ShapeDtypeStruct((n_rows, d), jnp.float32),
        scratch_types=[
            pltpu.VMEM((_CHUNK,), jnp.int32),
            pltpu.VMEM((_CHUNK, d), jnp.float32),
            pltpu.SemaphoreType.DMA,
        ],
    )
    def scatter(table_hbm, idx_hbm, out_hbm, idx_v, rows_v, sem):
        wid = lax.axis_index("s") * _NC + lax.axis_index("c")
        base = wid * per_w

        def body(i, carry):
            off = base + i * _CHUNK
            pltpu.sync_copy(idx_hbm.at[pl.ds(off, _CHUNK)], idx_v)
            pltpu.sync_copy(table_hbm.at[pl.ds(off, _CHUNK)], rows_v)
            pltpu.async_copy(rows_v, out_hbm.at[idx_v], sem).wait()
            return carry

        lax.fori_loop(0, steps, body, 0)

    return scatter


def _enc_body(inp_ref, w1_ref, b1_ref, w2_ref, b2_ref, wroot_ref, brel_ref,
              xe_ref, root_ref):
    h = lax.dot_general(inp_ref[...], w1_ref[...], (((1,), (1,)), ((), ())),
                        preferred_element_type=jnp.float32) + b1_ref[...]
    h = 0.5 * h * (1.0 + lax.erf(h * (2.0 ** -0.5)))
    xe = lax.dot_general(h, w2_ref[...], (((1,), (1,)), ((), ())),
                         preferred_element_type=jnp.float32) + b2_ref[...]
    xe_ref[...] = xe.astype(jnp.bfloat16)
    root_ref[...] = lax.dot_general(xe, wroot_ref[...], (((1,), (1,)), ((), ())),
                                    preferred_element_type=jnp.float32
                                    ) + brel_ref[...]


def _encode(inp_s, w1, b1, w2, b2, wroot, brel):
    return pl.pallas_call(
        _enc_body,
        grid=(NPAD // BLKE,),
        in_specs=[
            pl.BlockSpec((BLKE, DIN), lambda b: (b, 0)),
            pl.BlockSpec((DOUT, DIN), lambda b: (0, 0)),
            pl.BlockSpec((1, DOUT), lambda b: (0, 0)),
            pl.BlockSpec((DENC, DOUT), lambda b: (0, 0)),
            pl.BlockSpec((1, DENC), lambda b: (0, 0)),
            pl.BlockSpec((DOUT, DENC), lambda b: (0, 0)),
            pl.BlockSpec((1, DOUT), lambda b: (0, 0)),
        ],
        out_specs=[
            pl.BlockSpec((BLKE, DENC), lambda b: (b, 0)),
            pl.BlockSpec((BLKE, DOUT), lambda b: (b, 0)),
        ],
        out_shape=[
            jax.ShapeDtypeStruct((NPAD, DENC), jnp.bfloat16),
            jax.ShapeDtypeStruct((NPAD, DOUT), jnp.float32),
        ],
    )(inp_s, w1, b1, w2, b2, wroot, brel)


def _agg_body(auxd_ref, t0_ref, t1_ref, t2_ref, x0_ref, x1_ref, x2_ref,
              inp_ref, root_ref, wrel_ref, wskip_ref, out_ref):
    b = pl.program_id(0)
    cd0 = auxd_ref[:, 0:1]
    cd1 = auxd_ref[:, 1:2]
    sd = auxd_ref[:, 2:3]
    acc = jnp.zeros((BLK, DENC), jnp.float32)
    cnt = jnp.zeros((BLK, 1), jnp.float32)
    for s, (t_ref, x_ref) in enumerate(((t0_ref, x0_ref), (t1_ref, x1_ref),
                                        (t2_ref, x2_ref))):
        sb = b + s - 1
        valid = jnp.where((sb >= 0) & (sb < NBLK), 1.0, 0.0)
        cs0 = t_ref[0:1, :]
        cs1 = t_ref[1:2, :]
        ss = t_ref[2:3, :]
        same = (sd == ss)
        dx0 = cd0 - cs0
        dx1 = cd1 - cs1
        w = jnp.sqrt(dx0 * dx0 + dx1 * dx1)
        w = (jnp.where(same, w, 0.0) * valid).astype(jnp.bfloat16)
        acc = acc + jnp.dot(w, x_ref[...], preferred_element_type=jnp.float32)
        cnt = cnt + jnp.sum(same.astype(jnp.float32), axis=1,
                            keepdims=True) * valid
    agg = acc / jnp.maximum(cnt - 1.0, 1.0)
    out = lax.dot_general(agg, wrel_ref[...], (((1,), (1,)), ((), ())),
                          preferred_element_type=jnp.float32)
    out = out + root_ref[...]
    out = out + lax.dot_general(inp_ref[...], wskip_ref[...],
                                (((1,), (1,)), ((), ())),
                                preferred_element_type=jnp.float32)
    out_ref[...] = out


def _aggregate(auxd, auxt, xe, inp_s, root, wrel, wskip):
    def src_map(s):
        def f(b):
            i = jnp.clip(b + s - 1, 0, NBLK - 1)
            return (i, 0)
        return f

    def srcT_map(s):
        def f(b):
            i = jnp.clip(b + s - 1, 0, NBLK - 1)
            return (0, i)
        return f

    return pl.pallas_call(
        _agg_body,
        grid=(NBLK,),
        in_specs=[
            pl.BlockSpec((BLK, 4), lambda b: (b, 0)),
            pl.BlockSpec((4, BLK), srcT_map(0)),
            pl.BlockSpec((4, BLK), srcT_map(1)),
            pl.BlockSpec((4, BLK), srcT_map(2)),
            pl.BlockSpec((BLK, DENC), src_map(0)),
            pl.BlockSpec((BLK, DENC), src_map(1)),
            pl.BlockSpec((BLK, DENC), src_map(2)),
            pl.BlockSpec((BLK, DIN), lambda b: (b, 0)),
            pl.BlockSpec((BLK, DOUT), lambda b: (b, 0)),
            pl.BlockSpec((DOUT, DENC), lambda b: (0, 0)),
            pl.BlockSpec((DOUT, DIN), lambda b: (0, 0)),
        ],
        out_specs=pl.BlockSpec((BLK, DOUT), lambda b: (b, 0)),
        out_shape=jax.ShapeDtypeStruct((NPAD, DOUT), jnp.float32),
    )(auxd, auxt, auxt, auxt, xe, xe, xe, inp_s, root, wrel, wskip)


def kernel(x, src_coords, src_batch, W1, b1, W2, b2, W_skip, W_rel, b_rel,
           W_root):
    cx = jnp.clip(jnp.floor(src_coords[:, 0] * NX).astype(jnp.int32), 0, NX - 1)
    cy = jnp.clip(jnp.floor(src_coords[:, 1] * NY).astype(jnp.int32), 0, NY - 1)
    sub = src_batch.astype(jnp.int32) * (NX * NY) + cy * NX + cx

    sub_sorted, perm = lax.sort((sub, jnp.arange(N, dtype=jnp.int32)),
                                num_keys=1)

    pad_rows = NPAD - N
    inp = jnp.concatenate([x, src_coords], axis=1)
    inp = jnp.pad(inp, ((0, 0), (0, DIN - inp.shape[1])))
    perm_pad = jnp.concatenate([perm, jnp.zeros((pad_rows,), jnp.int32)])
    inp_s = _make_row_gather(NPAD, DIN)(inp, perm_pad)

    sub_f = jnp.concatenate([sub_sorted.astype(jnp.float32),
                             jnp.full((pad_rows,), SENT, jnp.float32)])
    auxd = jnp.concatenate(
        [inp_s[:, 128:130], sub_f[:, None],
         jnp.zeros((NPAD, 1), jnp.float32)], axis=1)
    auxt = auxd.T

    w1p = jnp.pad(W1, ((0, 0), (0, DIN - W1.shape[1])))
    wskip_p = jnp.pad(W_skip, ((0, 0), (0, DIN - W_skip.shape[1])))
    xe, root = _encode(inp_s, w1p, b1.reshape(1, -1), W2, b2.reshape(1, -1),
                       W_root, b_rel.reshape(1, -1))

    out_s = _aggregate(auxd, auxt, xe, inp_s, root, W_rel, wskip_p)

    scat_idx = jnp.concatenate([perm, jnp.arange(N, NPAD, dtype=jnp.int32)])
    out = _make_row_scatter(NPAD, DOUT)(out_s, scat_idx)
    return out[:N]

# --- scband reference (transcript-rebuilt; emitter-appended) ---
"""Pipeline reference for scband-ddop-gnn-86766929314322 (READ-ONLY COPY).

The authoritative reference and input builder live on the scoring server;
editing this copy changes nothing except your own understanding.
"""

import jax, jax.numpy as jnp
import numpy as np

N = 50000
IN_CH = 128
OUT_CH = 128
HID = 128
NX = 20
NY = 20
NB = 16


def _compute_clusters(src_coords, src_batch, nx, ny):
    cx = jnp.clip(jnp.floor(src_coords[:, 0] * nx).astype(jnp.int32), 0, nx - 1)
    cy = jnp.clip(jnp.floor(src_coords[:, 1] * ny).astype(jnp.int32), 0, ny - 1)
    return src_batch.astype(jnp.int32) * (nx * ny) + cy * nx + cx


def _subdomains_to_edge_index(subdomains):
    sub = np.asarray(subdomains)
    order = np.argsort(sub, kind='stable')
    ss = sub[order]
    boundaries = np.flatnonzero(np.diff(ss)) + 1
    starts = np.concatenate([np.array([0], dtype=np.int64), boundaries])
    ends = np.concatenate([boundaries, np.array([len(ss)], dtype=np.int64)])
    srcs = []
    dsts = []
    for s, e in zip(starts, ends):
        nodes = order[s:e]
        m = int(e - s)
        if m < 2:
            continue
        src = np.repeat(nodes, m)
        dst = np.tile(nodes, m)
        mask = src != dst
        srcs.append(src[mask])
        dsts.append(dst[mask])
    ei = np.stack([np.concatenate(srcs), np.concatenate(dsts)]).astype(np.int32)
    return jnp.asarray(ei)


def setup_inputs(seed: int = 0):
    key = jax.random.key(seed)
    ks = jax.random.split(key, 11)
    x = jax.random.normal(ks[0], (N, IN_CH), dtype=jnp.float32)
    src_coords = jax.random.uniform(ks[1], (N, 2), dtype=jnp.float32)
    src_batch = jnp.sort(jax.random.randint(ks[2], (N,), 0, NB))
    d_in = IN_CH + 2
    W1 = jax.random.normal(ks[3], (HID, d_in), dtype=jnp.float32) / np.sqrt(d_in)
    b1 = jnp.zeros((HID,), dtype=jnp.float32)
    W2 = jax.random.normal(ks[4], (2 * HID, HID), dtype=jnp.float32) / np.sqrt(HID)
    b2 = jnp.zeros((2 * HID,), dtype=jnp.float32)
    W_skip = jax.random.normal(ks[5], (OUT_CH, d_in), dtype=jnp.float32) / np.sqrt(d_in)
    W_rel = jax.random.normal(ks[6], (OUT_CH, 2 * HID), dtype=jnp.float32) / np.sqrt(2 * HID)
    b_rel = jnp.zeros((OUT_CH,), dtype=jnp.float32)
    W_root = jax.random.normal(ks[7], (OUT_CH, 2 * HID), dtype=jnp.float32) / np.sqrt(2 * HID)
    return {"x": x, "src_coords": src_coords, "src_batch": src_batch, "W1": W1, "b1": b1, "W2": W2, "b2": b2, "W_skip": W_skip, "W_rel": W_rel, "b_rel": b_rel, "W_root": W_root}


def reference(x, src_coords, src_batch, W1, b1, W2, b2, W_skip, W_rel, b_rel, W_root):
    sub = _compute_clusters(src_coords, src_batch, NX, NY)
    inp = jnp.concatenate([x, src_coords], axis=1)
    h = jax.nn.gelu(inp @ W1.T + b1, approximate=False)
    x_enc = h @ W2.T + b2
    idx = jnp.arange(N, dtype=jnp.int32)
    chunk = 500

    def process(d_idx):
        same = sub[d_idx][:, None] == sub[None, :]
        not_self = d_idx[:, None] != idx[None, :]
        mask = same & not_self
        dx0 = src_coords[d_idx, 0][:, None] - src_coords[None, :, 0]
        dx1 = src_coords[d_idx, 1][:, None] - src_coords[None, :, 1]
        w = jnp.sqrt(dx0 * dx0 + dx1 * dx1)
        w = jnp.where(mask, w, 0.0)
        agg_c = w @ x_enc
        cnt_c = jnp.sum(mask.astype(jnp.float32), axis=1)
        return agg_c, cnt_c

    d_blocks = idx.reshape(N // chunk, chunk)
    agg, cnt = jax.lax.map(process, d_blocks)
    agg = agg.reshape(N, 2 * HID)
    cnt = cnt.reshape(N)
    agg = agg / jnp.maximum(cnt, 1.0)[:, None]
    conv = agg @ W_rel.T + b_rel + x_enc @ W_root.T
    return inp @ W_skip.T + conv

if __name__ == "__main__":
    import jax
    _d = setup_inputs()
    print(jax.jit(kernel)(*tuple(_d.values())))

</pallas_src>

<mosaic_0001>
#map = affine_map<(d0, d1) -> (0, 0)>
#map1 = affine_map<(d0, d1) -> (0)>
module attributes {stable_mosaic.version = 14 : i64} {
  func.func @scatter(%arg0: i32, %arg1: i32, %arg2: memref<50176x128xf32, #tpu.memory_space<hbm>>, %arg3: memref<50176xi32, #tpu.memory_space<hbm>>, %arg4: memref<50176x128xf32, #tpu.memory_space<hbm>>, %arg5: memref<112xi32, #tpu.memory_space<vmem>>, %arg6: memref<112x128xf32, #tpu.memory_space<vmem>>, %arg7: memref<!tpu.dma_semaphore, #tpu.memory_space<semaphore_mem>>) attributes {dimension_semantics = [#tpu.dimension_semantics<core_parallel>, #tpu.dimension_semantics<subcore_parallel>], iteration_bounds = array<i64: 2, 16>, scalar_prefetch = 0 : i64, scratch_operands = 3 : i64, tpu.core_type = #tpu.core_type<sc_vector_subcore>, window_params = [{transform_indices = #map}, {transform_indices = #map1}, {transform_indices = #map}]} {
    %mul3A = arith.constant 2 : i32
    %mul3A_0 = arith.muli %arg1, %mul3A : i32
    %add3A = arith.addi %mul3A_0, %arg0 : i32
    %mul3A_1 = arith.constant 1568 : i32
    %mul3A_2 = arith.muli %add3A, %mul3A_1 : i32
    %scan3A = arith.constant 0 : i32
    %scan3A_3 = arith.constant 0 : i32
    %scan3A_4 = arith.constant 14 : i32
    %scan3A_5 = arith.addi %scan3A_3, %scan3A_4 : i32
    %scan3A_6 = arith.constant 1 : i32
    scf.for %scan3A_8 = %scan3A_3 to %scan3A_5 step %scan3A_6  : i32 {
      %mul3A_9 = arith.constant 112 : i32
      %mul3A_10 = arith.muli %scan3A_8, %mul3A_9 : i32
      %add3A_11 = arith.addi %mul3A_2, %mul3A_10 : i32
      "tpu.region"() ({
        %run_scoped3A = tpu.sem_alloc : memref<!tpu.dma_semaphore, #tpu.memory_space<semaphore_mem>>
        %dma_start3A_16 = tpu.memref_slice %arg3[%add3A_11] : memref<50176xi32, #tpu.memory_space<hbm>> -> memref<112xi32, #tpu.memory_space<hbm>>
        %dma_start3A_17 = tpu.memref_slice %arg3[%add3A_11] : memref<50176xi32, #tpu.memory_space<hbm>> -> memref<112xi32, #tpu.memory_space<hbm>>
        tpu.enqueue_dma source(%dma_start3A_17 : memref<112xi32, #tpu.memory_space<hbm>>) target(%arg5 : memref<112xi32, #tpu.memory_space<vmem>>) target_semaphore(%run_scoped3A : memref<!tpu.dma_semaphore, #tpu.memory_space<semaphore_mem>>)
        %dma_wait3A_18 = tpu.memref_slice %arg3[%add3A_11] : memref<50176xi32, #tpu.memory_space<hbm>> -> memref<112xi32, #tpu.memory_space<hbm>>
        %dma_wait3A_19 = tpu.memref_slice %arg3[%add3A_11] : memref<50176xi32, #tpu.memory_space<hbm>> -> memref<112xi32, #tpu.memory_space<hbm>>
        tpu.wait_dma2 semaphore(%run_scoped3A : memref<!tpu.dma_semaphore, #tpu.memory_space<semaphore_mem>>) src(%dma_wait3A_19 : memref<112xi32, #tpu.memory_space<hbm>>) dst(%arg5 : memref<112xi32, #tpu.memory_space<vmem>>)
        tpu.yield
      }) : () -> ()
      "tpu.region"() ({
        %run_scoped3A = tpu.sem_alloc : memref<!tpu.dma_semaphore, #tpu.memory_space<semaphore_mem>>
        %dma_start3A_16 = arith.constant 0 : i32
        %dma_start3A_17 = tpu.memref_slice %arg2[%add3A_11, %dma_start3A_16] : memref<50176x128xf32, #tpu.memory_space<hbm>> -> memref<112x128xf32, #tpu.memory_space<hbm>>
        %dma_start3A_18 = arith.constant 0 : i32
        %dma_start3A_19 = tpu.memref_slice %arg2[%add3A_11, %dma_start3A_18] : memref<50176x128xf32, #tpu.memory_space<hbm>> -> memref<112x128xf32, #tpu.memory_space<hbm>>
        tpu.enqueue_dma source(%dma_start3A_19 : memref<112x128xf32, #tpu.memory_space<hbm>>) target(%arg6 : memref<112x128xf32, #tpu.memory_space<vmem>>) target_semaphore(%run_scoped3A : memref<!tpu.dma_semaphore, #tpu.memory_space<semaphore_mem>>)
        %dma_wait3A_20 = arith.constant 0 : i32
        %dma_wait3A_21 = tpu.memref_slice %arg2[%add3A_11, %dma_wait3A_20] : memref<50176x128xf32, #tpu.memory_space<hbm>> -> memref<112x128xf32, #tpu.memory_space<hbm>>
        %dma_wait3A_22 = arith.constant 0 : i32
        %dma_wait3A_23 = tpu.memref_slice %arg2[%add3A_11, %dma_wait3A_22] : memref<50176x128xf32, #tpu.memory_space<hbm>> -> memref<112x128xf32, #tpu.memory_space<hbm>>
        tpu.wait_dma2 semaphore(%run_scoped3A : memref<!tpu.dma_semaphore, #tpu.memory_space<semaphore_mem>>) src(%dma_wait3A_23 : memref<112x128xf32, #tpu.memory_space<hbm>>) dst(%arg6 : memref<112x128xf32, #tpu.memory_space<vmem>>)
        tpu.yield
      }) : () -> ()
      %dma_start3A = arith.constant 0 : i32
      %dma_start3A_12 = arith.constant 0 : i32
      %dma_start3A_13 = tpu.memref_slice %arg4[%dma_start3A, %dma_start3A_12] : memref<50176x128xf32, #tpu.memory_space<hbm>> -> memref<50176x128xf32, #tpu.memory_space<hbm>>
      tpu.enqueue_indirect_dma source(%arg6 : memref<112x128xf32, #tpu.memory_space<vmem>>) target(%dma_start3A_13 : memref<50176x128xf32, #tpu.memory_space<hbm>>) offsets(%arg5 : memref<112xi32, #tpu.memory_space<vmem>>) semaphore(%arg7 : memref<!tpu.dma_semaphore, #tpu.memory_space<semaphore_mem>>)
      %dma_wait3A = arith.constant 0 : i32
      %dma_wait3A_14 = arith.constant 0 : i32
      %dma_wait3A_15 = tpu.memref_slice %arg4[%dma_wait3A, %dma_wait3A_14] : memref<50176x128xf32, #tpu.memory_space<hbm>> -> memref<50176x128xf32, #tpu.memory_space<hbm>>
      tpu.wait_indirect_dma semaphore(%arg7 : memref<!tpu.dma_semaphore, #tpu.memory_space<semaphore_mem>>) src(%arg6 : memref<112x128xf32, #tpu.memory_space<vmem>>) dst(%dma_wait3A_15 : memref<50176x128xf32, #tpu.memory_space<hbm>>)
    }
    %scan3A_7 = arith.constant 14 : i32
    return
  }
}

#map = affine_map<(d0, d1) -> (0, 0)>
#map1 = affine_map<(d0, d1) -> (0)>
module attributes {stable_mosaic.version = 14 : i64} {
  func.func @gather(%arg0: i32, %arg1: i32, %arg2: memref<50000x256xf32, #tpu.memory_space<hbm>>, %arg3: memref<50176xi32, #tpu.memory_space<hbm>>, %arg4: memref<50176x256xf32, #tpu.memory_space<hbm>>, %arg5: memref<112xi32, #tpu.memory_space<vmem>>, %arg6: memref<112x256xf32, #tpu.memory_space<vmem>>, %arg7: memref<!tpu.dma_semaphore, #tpu.memory_space<semaphore_mem>>) attributes {dimension_semantics = [#tpu.dimension_semantics<core_parallel>, #tpu.dimension_semantics<subcore_parallel>], iteration_bounds = array<i64: 2, 16>, scalar_prefetch = 0 : i64, scratch_operands = 3 : i64, tpu.core_type = #tpu.core_type<sc_vector_subcore>, window_params = [{transform_indices = #map}, {transform_indices = #map1}, {transform_indices = #map}]} {
    %mul3A = arith.constant 2 : i32
    %mul3A_0 = arith.muli %arg1, %mul3A : i32
    %add3A = arith.addi %mul3A_0, %arg0 : i32
    %mul3A_1 = arith.constant 1568 : i32
    %mul3A_2 = arith.muli %add3A, %mul3A_1 : i32
    %scan3A = arith.constant 0 : i32
    %scan3A_3 = arith.constant 0 : i32
    %scan3A_4 = arith.constant 14 : i32
    %scan3A_5 = arith.addi %scan3A_3, %scan3A_4 : i32
    %scan3A_6 = arith.constant 1 : i32
    scf.for %scan3A_8 = %scan3A_3 to %scan3A_5 step %scan3A_6  : i32 {
      %mul3A_9 = arith.constant 112 : i32
      %mul3A_10 = arith.muli %scan3A_8, %mul3A_9 : i32
      %add3A_11 = arith.addi %mul3A_2, %mul3A_10 : i32
      "tpu.region"() ({
        %run_scoped3A = tpu.sem_alloc : memref<!tpu.dma_semaphore, #tpu.memory_space<semaphore_mem>>
        %dma_start3A_16 = tpu.memref_slice %arg3[%add3A_11] : memref<50176xi32, #tpu.memory_space<hbm>> -> memref<112xi32, #tpu.memory_space<hbm>>
        %dma_start3A_17 = tpu.memref_slice %arg3[%add3A_11] : memref<50176xi32, #tpu.memory_space<hbm>> -> memref<112xi32, #tpu.memory_space<hbm>>
        tpu.enqueue_dma source(%dma_start3A_17 : memref<112xi32, #tpu.memory_space<hbm>>) target(%arg5 : memref<112xi32, #tpu.memory_space<vmem>>) target_semaphore(%run_scoped3A : memref<!tpu.dma_semaphore, #tpu.memory_space<semaphore_mem>>)
        %dma_wait3A_18 = tpu.memref_slice %arg3[%add3A_11] : memref<50176xi32, #tpu.memory_space<hbm>> -> memref<112xi32, #tpu.memory_space<hbm>>
        %dma_wait3A_19 = tpu.memref_slice %arg3[%add3A_11] : memref<50176xi32, #tpu.memory_space<hbm>> -> memref<112xi32, #tpu.memory_space<hbm>>
        tpu.wait_dma2 semaphore(%run_scoped3A : memref<!tpu.dma_semaphore, #tpu.memory_space<semaphore_mem>>) src(%dma_wait3A_19 : memref<112xi32, #tpu.memory_space<hbm>>) dst(%arg5 : memref<112xi32, #tpu.memory_space<vmem>>)
        tpu.yield
      }) : () -> ()
      %dma_start3A = arith.constant 0 : i32
      %dma_start3A_12 = arith.constant 0 : i32
      %dma_start3A_13 = tpu.memref_slice %arg2[%dma_start3A, %dma_start3A_12] : memref<50000x256xf32, #tpu.memory_space<hbm>> -> memref<50000x256xf32, #tpu.memory_space<hbm>>
      tpu.enqueue_indirect_dma source(%dma_start3A_13 : memref<50000x256xf32, #tpu.memory_space<hbm>>) target(%arg6 : memref<112x256xf32, #tpu.memory_space<vmem>>) offsets(%arg5 : memref<112xi32, #tpu.memory_space<vmem>>) semaphore(%arg7 : memref<!tpu.dma_semaphore, #tpu.memory_space<semaphore_mem>>)
      %dma_wait3A = arith.constant 0 : i32
      %dma_wait3A_14 = arith.constant 0 : i32
      %dma_wait3A_15 = tpu.memref_slice %arg2[%dma_wait3A, %dma_wait3A_14] : memref<50000x256xf32, #tpu.memory_space<hbm>> -> memref<50000x256xf32, #tpu.memory_space<hbm>>
      tpu.wait_indirect_dma semaphore(%arg7 : memref<!tpu.dma_semaphore, #tpu.memory_space<semaphore_mem>>) src(%dma_wait3A_15 : memref<50000x256xf32, #tpu.memory_space<hbm>>) dst(%arg6 : memref<112x256xf32, #tpu.memory_space<vmem>>)
      "tpu.region"() ({
        %run_scoped3A = tpu.sem_alloc : memref<!tpu.dma_semaphore, #tpu.memory_space<semaphore_mem>>
        %dma_start3A_16 = arith.constant 0 : i32
        %dma_start3A_17 = tpu.memref_slice %arg4[%add3A_11, %dma_start3A_16] : memref<50176x256xf32, #tpu.memory_space<hbm>> -> memref<112x256xf32, #tpu.memory_space<hbm>>
        %dma_start3A_18 = arith.constant 0 : i32
        %dma_start3A_19 = tpu.memref_slice %arg4[%add3A_11, %dma_start3A_18] : memref<50176x256xf32, #tpu.memory_space<hbm>> -> memref<112x256xf32, #tpu.memory_space<hbm>>
        tpu.enqueue_dma source(%arg6 : memref<112x256xf32, #tpu.memory_space<vmem>>) target(%dma_start3A_19 : memref<112x256xf32, #tpu.memory_space<hbm>>) target_semaphore(%run_scoped3A : memref<!tpu.dma_semaphore, #tpu.memory_space<semaphore_mem>>)
        %dma_wait3A_20 = arith.constant 0 : i32
        %dma_wait3A_21 = tpu.memref_slice %arg4[%add3A_11, %dma_wait3A_20] : memref<50176x256xf32, #tpu.memory_space<hbm>> -> memref<112x256xf32, #tpu.memory_space<hbm>>
        %dma_wait3A_22 = arith.constant 0 : i32
        %dma_wait3A_23 = tpu.memref_slice %arg4[%add3A_11, %dma_wait3A_22] : memref<50176x256xf32, #tpu.memory_space<hbm>> -> memref<112x256xf32, #tpu.memory_space<hbm>>
        tpu.wait_dma2 semaphore(%run_scoped3A : memref<!tpu.dma_semaphore, #tpu.memory_space<semaphore_mem>>) src(%arg6 : memref<112x256xf32, #tpu.memory_space<vmem>>) dst(%dma_wait3A_23 : memref<112x256xf32, #tpu.memory_space<hbm>>)
        tpu.yield
      }) : () -> ()
    }
    %scan3A_7 = arith.constant 14 : i32
    return
  }
}

module attributes {stable_mosaic.version = 14 : i64} {
  func.func @_enc_body(%arg0: i32, %arg1: memref<512x256xf32, #tpu.memory_space<vmem>>, %arg2: memref<128x256xf32, #tpu.memory_space<vmem>>, %arg3: memref<1x128xf32, #tpu.memory_space<vmem>>, %arg4: memref<256x128xf32, #tpu.memory_space<vmem>>, %arg5: memref<1x256xf32, #tpu.memory_space<vmem>>, %arg6: memref<128x256xf32, #tpu.memory_space<vmem>>, %arg7: memref<1x128xf32, #tpu.memory_space<vmem>>, %arg8: memref<512x256xbf16, #tpu.memory_space<vmem>>, %arg9: memref<512x128xf32, #tpu.memory_space<vmem>>) attributes {dimension_semantics = [#tpu.dimension_semantics<arbitrary>], iteration_bounds = array<i64: 98>, scalar_prefetch = 0 : i64, scratch_operands = 0 : i64, tpu.core_type = #tpu.core_type<tc>, window_params = [{transform_indices = @transform_0, window_bounds = array<i64: 512, 256>}, {pipeline_mode = #tpu.pipeline_mode<synchronous>, transform_indices = @transform_1, window_bounds = array<i64: 128, 256>}, {pipeline_mode = #tpu.pipeline_mode<synchronous>, transform_indices = @transform_2, window_bounds = array<i64: 1, 128>}, {pipeline_mode = #tpu.pipeline_mode<synchronous>, transform_indices = @transform_3, window_bounds = array<i64: 256, 128>}, {pipeline_mode = #tpu.pipeline_mode<synchronous>, transform_indices = @transform_4, window_bounds = array<i64: 1, 256>}, {pipeline_mode = #tpu.pipeline_mode<synchronous>, transform_indices = @transform_5, window_bounds = array<i64: 128, 256>}, {pipeline_mode = #tpu.pipeline_mode<synchronous>, transform_indices = @transform_6, window_bounds = array<i64: 1, 128>}, {transform_indices = @transform_7, window_bounds = array<i64: 512, 256>}, {transform_indices = @transform_8, window_bounds = array<i64: 512, 128>}]} {
    %get3A = arith.constant 0 : index
    %get3A_0 = arith.constant 0 : index
    %get3A_1 = vector.load %arg1[%get3A, %get3A_0] : memref<512x256xf32, #tpu.memory_space<vmem>>, vector<512x256xf32>
    %get3A_2 = arith.constant 0 : index
    %get3A_3 = arith.constant 0 : index
    %get3A_4 = vector.load %arg2[%get3A_2, %get3A_3] : memref<128x256xf32, #tpu.memory_space<vmem>>, vector<128x256xf32>
    %dot_general3A = arith.constant dense<0.000000e+00> : vector<512x128xf32>
    %dot_general3A_5 = tpu.matmul %get3A_1, %get3A_4, %dot_general3A {dimension_numbers = #tpu.dot_dimension_numbers<[1], [1], [0], [0], [0, 0, 1, 0], [], []>, transpose_lhs_hint = false} : vector<512x256xf32>, vector<128x256xf32>, vector<512x128xf32> -> vector<512x128xf32>
    %get3A_6 = arith.constant 0 : index
    %get3A_7 = arith.constant 0 : index
    %get3A_8 = vector.load %arg3[%get3A_6, %get3A_7] : memref<1x128xf32, #tpu.memory_space<vmem>>, vector<1x128xf32>
    %add3A = vector.broadcast %get3A_8 : vector<1x128xf32> to vector<512x128xf32>
    %add3A_9 = arith.addf %dot_general3A_5, %add3A : vector<512x128xf32>
    %mul3A = arith.constant 5.000000e-01 : f32
    %mul3A_10 = vector.broadcast %mul3A : f32 to vector<512x128xf32>
    %mul3A_11 = arith.mulf %mul3A_10, %add3A_9 : vector<512x128xf32>
    %mul3A_12 = arith.constant 0.707106769 : f32
    %mul3A_13 = vector.broadcast %mul3A_12 : f32 to vector<512x128xf32>
    %mul3A_14 = arith.mulf %add3A_9, %mul3A_13 : vector<512x128xf32>
    %erf3A = math.erf %mul3A_14 : vector<512x128xf32>
    %add3A_15 = arith.constant 1.000000e+00 : f32
    %add3A_16 = vector.broadcast %add3A_15 : f32 to vector<512x128xf32>
    %add3A_17 = arith.addf %add3A_16, %erf3A : vector<512x128xf32>
    %mul3A_18 = arith.mulf %mul3A_11, %add3A_17 : vector<512x128xf32>
    %get3A_19 = arith.constant 0 : index
    %get3A_20 = arith.constant 0 : index
    %get3A_21 = vector.load %arg4[%get3A_19, %get3A_20] : memref<256x128xf32, #tpu.memory_space<vmem>>, vector<256x128xf32>
    %dot_general3A_22 = arith.constant dense<0.000000e+00> : vector<512x256xf32>
    %dot_general3A_23 = tpu.matmul %mul3A_18, %get3A_21, %dot_general3A_22 {dimension_numbers = #tpu.dot_dimension_numbers<[1], [1], [0], [0], [0, 0, 1, 0], [], []>, transpose_lhs_hint = false} : vector<512x128xf32>, vector<256x128xf32>, vector<512x256xf32> -> vector<512x256xf32>
    %get3A_24 = arith.constant 0 : index
    %get3A_25 = arith.constant 0 : index
    %get3A_26 = vector.load %arg5[%get3A_24, %get3A_25] : memref<1x256xf32, #tpu.memory_space<vmem>>, vector<1x256xf32>
    %add3A_27 = vector.broadcast %get3A_26 : vector<1x256xf32> to vector<512x256xf32>
    %add3A_28 = arith.addf %dot_general3A_23, %add3A_27 : vector<512x256xf32>
    %convert_element_type3A = arith.truncf %add3A_28 : vector<512x256xf32> to vector<512x256xbf16>
    %swap3A = arith.constant 0 : index
    %swap3A_29 = arith.constant 0 : index
    %swap3A_30 = vector.load %arg8[%swap3A, %swap3A_29] : memref<512x256xbf16, #tpu.memory_space<vmem>>, vector<512x256xbf16>
    tpu.vector_store %arg8[%swap3A, %swap3A_29], %convert_element_type3A {strides = array<i32>} : memref<512x256xbf16, #tpu.memory_space<vmem>>, vector<512x256xbf16>,
    %get3A_31 = arith.constant 0 : index
    %get3A_32 = arith.constant 0 : index
    %get3A_33 = vector.load %arg6[%get3A_31, %get3A_32] : memref<128x256xf32, #tpu.memory_space<vmem>>, vector<128x256xf32>
    %dot_general3A_34 = arith.constant dense<0.000000e+00> : vector<512x128xf32>
    %dot_general3A_35 = tpu.matmul %add3A_28, %get3A_33, %dot_general3A_34 {dimension_numbers = #tpu.dot_dimension_numbers<[1], [1], [0], [0], [0, 0, 1, 0], [], []>, transpose_lhs_hint = false} : vector<512x256xf32>, vector<128x256xf32>, vector<512x128xf32> -> vector<512x128xf32>
    %get3A_36 = arith.constant 0 : index
    %get3A_37 = arith.constant 0 : index
    %get3A_38 = vector.load %arg7[%get3A_36, %get3A_37] : memref<1x128xf32, #tpu.memory_space<vmem>>, vector<1x128xf32>
    %add3A_39 = vector.broadcast %get3A_38 : vector<1x128xf32> to vector<512x128xf32>
    %add3A_40 = arith.addf %dot_general3A_35, %add3A_39 : vector<512x128xf32>
    %swap3A_41 = arith.constant 0 : index
    %swap3A_42 = arith.constant 0 : index
    %swap3A_43 = vector.load %arg9[%swap3A_41, %swap3A_42] : memref<512x128xf32, #tpu.memory_space<vmem>>, vector<512x128xf32>
    tpu.vector_store %arg9[%swap3A_41, %swap3A_42], %add3A_40 {strides = array<i32>} : memref<512x128xf32, #tpu.memory_space<vmem>>, vector<512x128xf32>,
    return
  }
  func.func @transform_0(%arg0: i32) -> (i32, i32) {
    %c0_i32 = arith.constant 0 : i32
    %c0_i32_0 = arith.constant 0 : i32
    return %arg0, %c0_i32 : i32, i32
  }
  func.func @transform_1(%arg0: i32) -> (i32, i32) {
    %c0_i32 = arith.constant 0 : i32
    %c0_i32_0 = arith.constant 0 : i32
    %c0_i32_1 = arith.constant 0 : i32
    return %c0_i32, %c0_i32_0 : i32, i32
  }
  func.func @transform_2(%arg0: i32) -> (i32, i32) {
    %c0_i32 = arith.constant 0 : i32
    %c0_i32_0 = arith.constant 0 : i32
    %c0_i32_1 = arith.constant 0 : i32
    return %c0_i32, %c0_i32_0 : i32, i32
  }
  func.func @transform_3(%arg0: i32) -> (i32, i32) {
    %c0_i32 = arith.constant 0 : i32
    %c0_i32_0 = arith.constant 0 : i32
    %c0_i32_1 = arith.constant 0 : i32
    return %c0_i32, %c0_i32_0 : i32, i32
  }
  func.func @transform_4(%arg0: i32) -> (i32, i32) {
    %c0_i32 = arith.constant 0 : i32
    %c0_i32_0 = arith.constant 0 : i32
    %c0_i32_1 = arith.constant 0 : i32
    return %c0_i32, %c0_i32_0 : i32, i32
  }
  func.func @transform_5(%arg0: i32) -> (i32, i32) {
    %c0_i32 = arith.constant 0 : i32
    %c0_i32_0 = arith.constant 0 : i32
    %c0_i32_1 = arith.constant 0 : i32
    return %c0_i32, %c0_i32_0 : i32, i32
  }
  func.func @transform_6(%arg0: i32) -> (i32, i32) {
    %c0_i32 = arith.constant 0 : i32
    %c0_i32_0 = arith.constant 0 : i32
    %c0_i32_1 = arith.constant 0 : i32
    return %c0_i32, %c0_i32_0 : i32, i32
  }
  func.func @transform_7(%arg0: i32) -> (i32, i32) {
    %c0_i32 = arith.constant 0 : i32
    %c0_i32_0 = arith.constant 0 : i32
    return %arg0, %c0_i32 : i32, i32
  }
  func.func @transform_8(%arg0: i32) -> (i32, i32) {
    %c0_i32 = arith.constant 0 : i32
    %c0_i32_0 = arith.constant 0 : i32
    return %arg0, %c0_i32 : i32, i32
  }
}

module attributes {stable_mosaic.version = 14 : i64} {
  func.func @_agg_body(%arg0: i32, %arg1: memref<256x4xf32, #tpu.memory_space<vmem>>, %arg2: memref<4x256xf32, #tpu.memory_space<vmem>>, %arg3: memref<4x256xf32, #tpu.memory_space<vmem>>, %arg4: memref<4x256xf32, #tpu.memory_space<vmem>>, %arg5: memref<256x256xbf16, #tpu.memory_space<vmem>>, %arg6: memref<256x256xbf16, #tpu.memory_space<vmem>>, %arg7: memref<256x256xbf16, #tpu.memory_space<vmem>>, %arg8: memref<256x256xf32, #tpu.memory_space<vmem>>, %arg9: memref<256x128xf32, #tpu.memory_space<vmem>>, %arg10: memref<128x256xf32, #tpu.memory_space<vmem>>, %arg11: memref<128x256xf32, #tpu.memory_space<vmem>>, %arg12: memref<256x128xf32, #tpu.memory_space<vmem>>) attributes {dimension_semantics = [#tpu.dimension_semantics<arbitrary>], iteration_bounds = array<i64: 196>, scalar_prefetch = 0 : i64, scratch_operands = 0 : i64, tpu.core_type = #tpu.core_type<tc>, window_params = [{transform_indices = @transform_0, window_bounds = array<i64: 256, 4>}, {transform_indices = @transform_1, window_bounds = array<i64: 4, 256>}, {transform_indices = @transform_2, window_bounds = array<i64: 4, 256>}, {transform_indices = @transform_3, window_bounds = array<i64: 4, 256>}, {transform_indices = @transform_4, window_bounds = array<i64: 256, 256>}, {transform_indices = @transform_5, window_bounds = array<i64: 256, 256>}, {transform_indices = @transform_6, window_bounds = array<i64: 256, 256>}, {transform_indices = @transform_7, window_bounds = array<i64: 256, 256>}, {transform_indices = @transform_8, window_bounds = array<i64: 256, 128>}, {pipeline_mode = #tpu.pipeline_mode<synchronous>, transform_indices = @transform_9, window_bounds = array<i64: 128, 256>}, {pipeline_mode = #tpu.pipeline_mode<synchronous>, transform_indices = @transform_10, window_bounds = array<i64: 128, 256>}, {transform_indices = @transform_11, window_bounds = array<i64: 256, 128>}]} {
    %get3A = arith.constant 0 : index
    %get3A_0 = arith.constant 0 : index
    %get3A_1 = vector.load %arg1[%get3A, %get3A_0] : memref<256x4xf32, #tpu.memory_space<vmem>>, vector<256x1xf32>
    %get3A_2 = arith.constant 0 : index
    %get3A_3 = arith.constant 1 : index
    %get3A_4 = vector.load %arg1[%get3A_2, %get3A_3] : memref<256x4xf32, #tpu.memory_space<vmem>>, vector<256x1xf32>
    %get3A_5 = arith.constant 0 : index
    %get3A_6 = arith.constant 2 : index
    %get3A_7 = vector.load %arg1[%get3A_5, %get3A_6] : memref<256x4xf32, #tpu.memory_space<vmem>>, vector<256x1xf32>
    %broadcast_in_dim3A = arith.constant 0.000000e+00 : f32
    %broadcast_in_dim3A_8 = vector.broadcast %broadcast_in_dim3A : f32 to vector<256x256xf32>
    %broadcast_in_dim3A_9 = arith.constant 0.000000e+00 : f32
    %broadcast_in_dim3A_10 = vector.broadcast %broadcast_in_dim3A_9 : f32 to vector<256x1xf32>
    %add3A = arith.constant 0 : i32
    %add3A_11 = arith.addi %arg0, %add3A : i32
    %sub3A = arith.constant 1 : i32
    %sub3A_12 = arith.subi %add3A_11, %sub3A : i32
    %ge3A = arith.constant 0 : i32
    %ge3A_13 = arith.cmpi sge, %sub3A_12, %ge3A : i32
    %lt3A = arith.constant 196 : i32
    %lt3A_14 = arith.cmpi slt, %sub3A_12, %lt3A : i32
    %and3A = arith.andi %ge3A_13, %lt3A_14 : i1
    %jit3A = arith.constant 1.000000e+00 : f32
    %jit3A_15 = arith.constant 0.000000e+00 : f32
    %select_n3A = arith.select %and3A, %jit3A, %jit3A_15 : f32
    %get3A_16 = arith.constant 0 : index
    %get3A_17 = arith.constant 0 : index
    %get3A_18 = vector.load %arg2[%get3A_16, %get3A_17] : memref<4x256xf32, #tpu.memory_space<vmem>>, vector<1x256xf32>
    %get3A_19 = arith.constant 1 : index
    %get3A_20 = arith.constant 0 : index
    %get3A_21 = vector.load %arg2[%get3A_19, %get3A_20] : memref<4x256xf32, #tpu.memory_space<vmem>>, vector<1x256xf32>
    %get3A_22 = arith.constant 2 : index
    %get3A_23 = arith.constant 0 : index
    %get3A_24 = vector.load %arg2[%get3A_22, %get3A_23] : memref<4x256xf32, #tpu.memory_space<vmem>>, vector<1x256xf32>
    %eq3A = vector.broadcast %get3A_7 : vector<256x1xf32> to vector<256x256xf32>
    %eq3A_25 = vector.broadcast %get3A_24 : vector<1x256xf32> to vector<256x256xf32>
    %eq3A_26 = arith.cmpf oeq, %eq3A, %eq3A_25 : vector<256x256xf32>
    %sub3A_27 = vector.broadcast %get3A_1 : vector<256x1xf32> to vector<256x256xf32>
    %sub3A_28 = vector.broadcast %get3A_18 : vector<1x256xf32> to vector<256x256xf32>
    %sub3A_29 = arith.subf %sub3A_27, %sub3A_28 : vector<256x256xf32>
    %sub3A_30 = vector.broadcast %get3A_4 : vector<256x1xf32> to vector<256x256xf32>
    %sub3A_31 = vector.broadcast %get3A_21 : vector<1x256xf32> to vector<256x256xf32>
    %sub3A_32 = arith.subf %sub3A_30, %sub3A_31 : vector<256x256xf32>
    %mul3A = arith.mulf %sub3A_29, %sub3A_29 : vector<256x256xf32>
    %mul3A_33 = arith.mulf %sub3A_32, %sub3A_32 : vector<256x256xf32>
    %add3A_34 = arith.addf %mul3A, %mul3A_33 : vector<256x256xf32>
    %sqrt3A = math.sqrt %add3A_34 : vector<256x256xf32>
    %jit3A_35 = arith.constant 0.000000e+00 : f32
    %broadcast_in_dim3A_36 = vector.broadcast %jit3A_35 : f32 to vector<256x256xf32>
    %select_n3A_37 = arith.select %eq3A_26, %sqrt3A, %broadcast_in_dim3A_36 : vector<256x256xi1>, vector<256x256xf32>
    %mul3A_38 = vector.broadcast %select_n3A : f32 to vector<256x256xf32>
    %mul3A_39 = arith.mulf %select_n3A_37, %mul3A_38 : vector<256x256xf32>
    %convert_element_type3A = arith.truncf %mul3A_39 : vector<256x256xf32> to vector<256x256xbf16>
    %get3A_40 = arith.constant 0 : index
    %get3A_41 = arith.constant 0 : index
    %get3A_42 = vector.load %arg5[%get3A_40, %get3A_41] : memref<256x256xbf16, #tpu.memory_space<vmem>>, vector<256x256xbf16>
    %dot_general3A = arith.constant dense<0.000000e+00> : vector<256x256xf32>
    %dot_general3A_43 = tpu.matmul %convert_element_type3A, %get3A_42, %dot_general3A {dimension_numbers = #tpu.dot_dimension_numbers<[1], [0], [0], [1], [0, 0, 1, 1], [], []>, transpose_lhs_hint = false} : vector<256x256xbf16>, vector<256x256xbf16>, vector<256x256xf32> -> vector<256x256xf32>
    %add3A_44 = arith.addf %broadcast_in_dim3A_8, %dot_general3A_43 : vector<256x256xf32>
    %convert_element_type3A_45 = arith.extui %eq3A_26 : vector<256x256xi1> to vector<256x256xi32>
    %convert_element_type3A_46 = arith.sitofp %convert_element_type3A_45 : vector<256x256xi32> to vector<256x256xf32>
    %reduce_sum3A = arith.constant dense<0.000000e+00> : vector<256xf32>
    %reduce_sum3A_47 = vector.multi_reduction <add>, %convert_element_type3A_46, %reduce_sum3A [1] : vector<256x256xf32> to vector<256xf32>
    %broadcast_in_dim3A_48 = vector.shape_cast %reduce_sum3A_47 : vector<256xf32> to vector<256x1xf32>
    %mul3A_49 = vector.broadcast %select_n3A : f32 to vector<256x1xf32>
    %mul3A_50 = arith.mulf %broadcast_in_dim3A_48, %mul3A_49 : vector<256x1xf32>
    %add3A_51 = arith.addf %broadcast_in_dim3A_10, %mul3A_50 : vector<256x1xf32>
    %add3A_52 = arith.constant 1 : i32
    %add3A_53 = arith.addi %arg0, %add3A_52 : i32
    %sub3A_54 = arith.constant 1 : i32
    %sub3A_55 = arith.subi %add3A_53, %sub3A_54 : i32
    %ge3A_56 = arith.constant 0 : i32
    %ge3A_57 = arith.cmpi sge, %sub3A_55, %ge3A_56 : i32
    %lt3A_58 = arith.constant 196 : i32
    %lt3A_59 = arith.cmpi slt, %sub3A_55, %lt3A_58 : i32
    %and3A_60 = arith.andi %ge3A_57, %lt3A_59 : i1
    %jit3A_61 = arith.constant 1.000000e+00 : f32
    %jit3A_62 = arith.constant 0.000000e+00 : f32
    %select_n3A_63 = arith.select %and3A_60, %jit3A_61, %jit3A_62 : f32
    %get3A_64 = arith.constant 0 : index
    %get3A_65 = arith.constant 0 : index
    %get3A_66 = vector.load %arg3[%get3A_64, %get3A_65] : memref<4x256xf32, #tpu.memory_space<vmem>>, vector<1x256xf32>
    %get3A_67 = arith.constant 1 : index
    %get3A_68 = arith.constant 0 : index
    %get3A_69 = vector.load %arg3[%get3A_67, %get3A_68] : memref<4x256xf32, #tpu.memory_space<vmem>>, vector<1x256xf32>
    %get3A_70 = arith.constant 2 : index
    %get3A_71 = arith.constant 0 : index
    %get3A_72 = vector.load %arg3[%get3A_70, %get3A_71] : memref<4x256xf32, #tpu.memory_space<vmem>>, vector<1x256xf32>
    %eq3A_73 = vector.broadcast %get3A_7 : vector<256x1xf32> to vector<256x256xf32>
    %eq3A_74 = vector.broadcast %get3A_72 : vector<1x256xf32> to vector<256x256xf32>
    %eq3A_75 = arith.cmpf oeq, %eq3A_73, %eq3A_74 : vector<256x256xf32>
    %sub3A_76 = vector.broadcast %get3A_1 : vector<256x1xf32> to vector<256x256xf32>
    %sub3A_77 = vector.broadcast %get3A_66 : vector<1x256xf32> to vector<256x256xf32>
    %sub3A_78 = arith.subf %sub3A_76, %sub3A_77 : vector<256x256xf32>
    %sub3A_79 = vector.broadcast %get3A_4 : vector<256x1xf32> to vector<256x256xf32>
    %sub3A_80 = vector.broadcast %get3A_69 : vector<1x256xf32> to vector<256x256xf32>
    %sub3A_81 = arith.subf %sub3A_79, %sub3A_80 : vector<256x256xf32>
    %mul3A_82 = arith.mulf %sub3A_78, %sub3A_78 : vector<256x256xf32>
    %mul3A_83 = arith.mulf %sub3A_81, %sub3A_81 : vector<256x256xf32>
    %add3A_84 = arith.addf %mul3A_82, %mul3A_83 : vector<256x256xf32>
    %sqrt3A_85 = math.sqrt %add3A_84 : vector<256x256xf32>
    %jit3A_86 = arith.constant 0.000000e+00 : f32
    %broadcast_in_dim3A_87 = vector.broadcast %jit3A_86 : f32 to vector<256x256xf32>
    %select_n3A_88 = arith.select %eq3A_75, %sqrt3A_85, %broadcast_in_dim3A_87 : vector<256x256xi1>, vector<256x256xf32>
    %mul3A_89 = vector.broadcast %select_n3A_63 : f32 to vector<256x256xf32>
    %mul3A_90 = arith.mulf %select_n3A_88, %mul3A_89 : vector<256x256xf32>
    %convert_element_type3A_91 = arith.truncf %mul3A_90 : vector<256x256xf32> to vector<256x256xbf16>
    %get3A_92 = arith.constant 0 : index
    %get3A_93 = arith.constant 0 : index
    %get3A_94 = vector.load %arg6[%get3A_92, %get3A_93] : memref<256x256xbf16, #tpu.memory_space<vmem>>, vector<256x256xbf16>
    %dot_general3A_95 = arith.constant dense<0.000000e+00> : vector<256x256xf32>
    %dot_general3A_96 = tpu.matmul %convert_element_type3A_91, %get3A_94, %dot_general3A_95 {dimension_numbers = #tpu.dot_dimension_numbers<[1], [0], [0], [1], [0, 0, 1, 1], [], []>, transpose_lhs_hint = false} : vector<256x256xbf16>, vector<256x256xbf16>, vector<256x256xf32> -> vector<256x256xf32>
    %add3A_97 = arith.addf %add3A_44, %dot_general3A_96 : vector<256x256xf32>
    %convert_element_type3A_98 = arith.extui %eq3A_75 : vector<256x256xi1> to vector<256x256xi32>
    %convert_element_type3A_99 = arith.sitofp %convert_element_type3A_98 : vector<256x256xi32> to vector<256x256xf32>
    %reduce_sum3A_100 = arith.constant dense<0.000000e+00> : vector<256xf32>
    %reduce_sum3A_101 = vector.multi_reduction <add>, %convert_element_type3A_99, %reduce_sum3A_100 [1] : vector<256x256xf32> to vector<256xf32>
    %broadcast_in_dim3A_102 = vector.shape_cast %reduce_sum3A_101 : vector<256xf32> to vector<256x1xf32>
    %mul3A_103 = vector.broadcast %select_n3A_63 : f32 to vector<256x1xf32>
    %mul3A_104 = arith.mulf %broadcast_in_dim3A_102, %mul3A_103 : vector<256x1xf32>
    %add3A_105 = arith.addf %add3A_51, %mul3A_104 : vector<256x1xf32>
    %add3A_106 = arith.constant 2 : i32
    %add3A_107 = arith.addi %arg0, %add3A_106 : i32
    %sub3A_108 = arith.constant 1 : i32
    %sub3A_109 = arith.subi %add3A_107, %sub3A_108 : i32
    %ge3A_110 = arith.constant 0 : i32
    %ge3A_111 = arith.cmpi sge, %sub3A_109, %ge3A_110 : i32
    %lt3A_112 = arith.constant 196 : i32
    %lt3A_113 = arith.cmpi slt, %sub3A_109, %lt3A_112 : i32
    %and3A_114 = arith.andi %ge3A_111, %lt3A_113 : i1
    %jit3A_115 = arith.constant 1.000000e+00 : f32
    %jit3A_116 = arith.constant 0.000000e+00 : f32
    %select_n3A_117 = arith.select %and3A_114, %jit3A_115, %jit3A_116 : f32
    %get3A_118 = arith.constant 0 : index
    %get3A_119 = arith.constant 0 : index
    %get3A_120 = vector.load %arg4[%get3A_118, %get3A_119] : memref<4x256xf32, #tpu.memory_space<vmem>>, vector<1x256xf32>
    %get3A_121 = arith.constant 1 : index
    %get3A_122 = arith.constant 0 : index
    %get3A_123 = vector.load %arg4[%get3A_121, %get3A_122] : memref<4x256xf32, #tpu.memory_space<vmem>>, vector<1x256xf32>
    %get3A_124 = arith.constant 2 : index
    %get3A_125 = arith.constant 0 : index
    %get3A_126 = vector.load %arg4[%get3A_124, %get3A_125] : memref<4x256xf32, #tpu.memory_space<vmem>>, vector<1x256xf32>
    %eq3A_127 = vector.broadcast %get3A_7 : vector<256x1xf32> to vector<256x256xf32>
    %eq3A_128 = vector.broadcast %get3A_126 : vector<1x256xf32> to vector<256x256xf32>
    %eq3A_129 = arith.cmpf oeq, %eq3A_127, %eq3A_128 : vector<256x256xf32>
    %sub3A_130 = vector.broadcast %get3A_1 : vector<256x1xf32> to vector<256x256xf32>
    %sub3A_131 = vector.broadcast %get3A_120 : vector<1x256xf32> to vector<256x256xf32>
    %sub3A_132 = arith.subf %sub3A_130, %sub3A_131 : vector<256x256xf32>
    %sub3A_133 = vector.broadcast %get3A_4 : vector<256x1xf32> to vector<256x256xf32>
    %sub3A_134 = vector.broadcast %get3A_123 : vector<1x256xf32> to vector<256x256xf32>
    %sub3A_135 = arith.subf %sub3A_133, %sub3A_134 : vector<256x256xf32>
    %mul3A_136 = arith.mulf %sub3A_132, %sub3A_132 : vector<256x256xf32>
    %mul3A_137 = arith.mulf %sub3A_135, %sub3A_135 : vector<256x256xf32>
    %add3A_138 = arith.addf %mul3A_136, %mul3A_137 : vector<256x256xf32>
    %sqrt3A_139 = math.sqrt %add3A_138 : vector<256x256xf32>
    %jit3A_140 = arith.constant 0.000000e+00 : f32
    %broadcast_in_dim3A_141 = vector.broadcast %jit3A_140 : f32 to vector<256x256xf32>
    %select_n3A_142 = arith.select %eq3A_129, %sqrt3A_139, %broadcast_in_dim3A_141 : vector<256x256xi1>, vector<256x256xf32>
    %mul3A_143 = vector.broadcast %select_n3A_117 : f32 to vector<256x256xf32>
    %mul3A_144 = arith.mulf %select_n3A_142, %mul3A_143 : vector<256x256xf32>
    %convert_element_type3A_145 = arith.truncf %mul3A_144 : vector<256x256xf32> to vector<256x256xbf16>
    %get3A_146 = arith.constant 0 : index
    %get3A_147 = arith.constant 0 : index
    %get3A_148 = vector.load %arg7[%get3A_146, %get3A_147] : memref<256x256xbf16, #tpu.memory_space<vmem>>, vector<256x256xbf16>
    %dot_general3A_149 = arith.constant dense<0.000000e+00> : vector<256x256xf32>
    %dot_general3A_150 = tpu.matmul %convert_element_type3A_145, %get3A_148, %dot_general3A_149 {dimension_numbers = #tpu.dot_dimension_numbers<[1], [0], [0], [1], [0, 0, 1, 1], [], []>, transpose_lhs_hint = false} : vector<256x256xbf16>, vector<256x256xbf16>, vector<256x256xf32> -> vector<256x256xf32>
    %add3A_151 = arith.addf %add3A_97, %dot_general3A_150 : vector<256x256xf32>
    %convert_element_type3A_152 = arith.extui %eq3A_129 : vector<256x256xi1> to vector<256x256xi32>
    %convert_element_type3A_153 = arith.sitofp %convert_element_type3A_152 : vector<256x256xi32> to vector<256x256xf32>
    %reduce_sum3A_154 = arith.constant dense<0.000000e+00> : vector<256xf32>
    %reduce_sum3A_155 = vector.multi_reduction <add>, %convert_element_type3A_153, %reduce_sum3A_154 [1] : vector<256x256xf32> to vector<256xf32>
    %broadcast_in_dim3A_156 = vector.shape_cast %reduce_sum3A_155 : vector<256xf32> to vector<256x1xf32>
    %mul3A_157 = vector.broadcast %select_n3A_117 : f32 to vector<256x1xf32>
    %mul3A_158 = arith.mulf %broadcast_in_dim3A_156, %mul3A_157 : vector<256x1xf32>
    %add3A_159 = arith.addf %add3A_105, %mul3A_158 : vector<256x1xf32>
    %sub3A_160 = arith.constant 1.000000e+00 : f32
    %sub3A_161 = vector.broadcast %sub3A_160 : f32 to vector<256x1xf32>
    %sub3A_162 = arith.subf %add3A_159, %sub3A_161 : vector<256x1xf32>
    %max3A = arith.constant 1.000000e+00 : f32
    %max3A_163 = vector.broadcast %max3A : f32 to vector<256x1xf32>
    %max3A_164 = arith.maximumf %sub3A_162, %max3A_163 : vector<256x1xf32>
    %div3A = vector.broadcast %max3A_164 : vector<256x1xf32> to vector<256x256xf32>
    %div3A_165 = arith.divf %add3A_151, %div3A : vector<256x256xf32>
    %get3A_166 = arith.constant 0 : index
    %get3A_167 = arith.constant 0 : index
    %get3A_168 = vector.load %arg10[%get3A_166, %get3A_167] : memref<128x256xf32, #tpu.memory_space<vmem>>, vector<128x256xf32>
    %dot_general3A_169 = arith.constant dense<0.000000e+00> : vector<256x128xf32>
    %dot_general3A_170 = tpu.matmul %div3A_165, %get3A_168, %dot_general3A_169 {dimension_numbers = #tpu.dot_dimension_numbers<[1], [1], [0], [0], [0, 0, 1, 0], [], []>, transpose_lhs_hint = false} : vector<256x256xf32>, vector<128x256xf32>, vector<256x128xf32> -> vector<256x128xf32>
    %get3A_171 = arith.constant 0 : index
    %get3A_172 = arith.constant 0 : index
    %get3A_173 = vector.load %arg9[%get3A_171, %get3A_172] : memref<256x128xf32, #tpu.memory_space<vmem>>, vector<256x128xf32>
    %add3A_174 = arith.addf %dot_general3A_170, %get3A_173 : vector<256x128xf32>
    %get3A_175 = arith.constant 0 : index
    %get3A_176 = arith.constant 0 : index
    %get3A_177 = vector.load %arg8[%get3A_175, %get3A_176] : memref<256x256xf32, #tpu.memory_space<vmem>>, vector<256x256xf32>
    %get3A_178 = arith.constant 0 : index
    %get3A_179 = arith.constant 0 : index
    %get3A_180 = vector.load %arg11[%get3A_178, %get3A_179] : memref<128x256xf32, #tpu.memory_space<vmem>>, vector<128x256xf32>
    %dot_general3A_181 = arith.constant dense<0.000000e+00> : vector<256x128xf32>
    %dot_general3A_182 = tpu.matmul %get3A_177, %get3A_180, %dot_general3A_181 {dimension_numbers = #tpu.dot_dimension_numbers<[1], [1], [0], [0], [0, 0, 1, 0], [], []>, transpose_lhs_hint = false} : vector<256x256xf32>, vector<128x256xf32>, vector<256x128xf32> -> vector<256x128xf32>
    %add3A_183 = arith.addf %add3A_174, %dot_general3A_182 : vector<256x128xf32>
    %swap3A = arith.constant 0 : index
    %swap3A_184 = arith.constant 0 : index
    %swap3A_185 = vector.load %arg12[%swap3A, %swap3A_184] : memref<256x128xf32, #tpu.memory_space<vmem>>, vector<256x128xf32>
    tpu.vector_store %arg12[%swap3A, %swap3A_184], %add3A_183 {strides = array<i32>} : memref<256x128xf32, #tpu.memory_space<vmem>>, vector<256x128xf32>,
    return
  }
  func.func @transform_0(%arg0: i32) -> (i32, i32) {
    %c0_i32 = arith.constant 0 : i32
    %c0_i32_0 = arith.constant 0 : i32
    return %arg0, %c0_i32 : i32, i32
  }
  func.func @transform_1(%arg0: i32) -> (i32, i32) {
    %add3A = arith.constant 0 : i32
    %add3A_0 = arith.addi %arg0, %add3A : i32
    %sub3A = arith.constant 1 : i32
    %sub3A_1 = arith.subi %add3A_0, %sub3A : i32
    %jit3A = arith.constant 0 : i32
    %jit3A_2 = arith.constant 195 : i32
    %max3A = arith.maxsi %jit3A, %sub3A_1 : i32
    %min3A = arith.minsi %jit3A_2, %max3A : i32
    %c0_i32 = arith.constant 0 : i32
    %c0_i32_3 = arith.constant 0 : i32
    return %c0_i32, %min3A : i32, i32
  }
  func.func @transform_2(%arg0: i32) -> (i32, i32) {
    %add3A = arith.constant 1 : i32
    %add3A_0 = arith.addi %arg0, %add3A : i32
    %sub3A = arith.constant 1 : i32
    %sub3A_1 = arith.subi %add3A_0, %sub3A : i32
    %jit3A = arith.constant 0 : i32
    %jit3A_2 = arith.constant 195 : i32
    %max3A = arith.maxsi %jit3A, %sub3A_1 : i32
    %min3A = arith.minsi %jit3A_2, %max3A : i32
    %c0_i32 = arith.constant 0 : i32
    %c0_i32_3 = arith.constant 0 : i32
    return %c0_i32, %min3A : i32, i32
  }
  func.func @transform_3(%arg0: i32) -> (i32, i32) {
    %add3A = arith.constant 2 : i32
    %add3A_0 = arith.addi %arg0, %add3A : i32
    %sub3A = arith.constant 1 : i32
    %sub3A_1 = arith.subi %add3A_0, %sub3A : i32
    %jit3A = arith.constant 0 : i32
    %jit3A_2 = arith.constant 195 : i32
    %max3A = arith.maxsi %jit3A, %sub3A_1 : i32
    %min3A = arith.minsi %jit3A_2, %max3A : i32
    %c0_i32 = arith.constant 0 : i32
    %c0_i32_3 = arith.constant 0 : i32
    return %c0_i32, %min3A : i32, i32
  }
  func.func @transform_4(%arg0: i32) -> (i32, i32) {
    %add3A = arith.constant 0 : i32
    %add3A_0 = arith.addi %arg0, %add3A : i32
    %sub3A = arith.constant 1 : i32
    %sub3A_1 = arith.subi %add3A_0, %sub3A : i32
    %jit3A = arith.constant 0 : i32
    %jit3A_2 = arith.constant 195 : i32
    %max3A = arith.maxsi %jit3A, %sub3A_1 : i32
    %min3A = arith.minsi %jit3A_2, %max3A : i32
    %c0_i32 = arith.constant 0 : i32
    %c0_i32_3 = arith.constant 0 : i32
    return %min3A, %c0_i32 : i32, i32
  }
  func.func @transform_5(%arg0: i32) -> (i32, i32) {
    %add3A = arith.constant 1 : i32
    %add3A_0 = arith.addi %arg0, %add3A : i32
    %sub3A = arith.constant 1 : i32
    %sub3A_1 = arith.subi %add3A_0, %sub3A : i32
    %jit3A = arith.constant 0 : i32
    %jit3A_2 = arith.constant 195 : i32
    %max3A = arith.maxsi %jit3A, %sub3A_1 : i32
    %min3A = arith.minsi %jit3A_2, %max3A : i32
    %c0_i32 = arith.constant 0 : i32
    %c0_i32_3 = arith.constant 0 : i32
    return %min3A, %c0_i32 : i32, i32
  }
  func.func @transform_6(%arg0: i32) -> (i32, i32) {
    %add3A = arith.constant 2 : i32
    %add3A_0 = arith.addi %arg0, %add3A : i32
    %sub3A = arith.constant 1 : i32
    %sub3A_1 = arith.subi %add3A_0, %sub3A : i32
    %jit3A = arith.constant 0 : i32
    %jit3A_2 = arith.constant 195 : i32
    %max3A = arith.maxsi %jit3A, %sub3A_1 : i32
    %min3A = arith.minsi %jit3A_2, %max3A : i32
    %c0_i32 = arith.constant 0 : i32
    %c0_i32_3 = arith.constant 0 : i32
    return %min3A, %c0_i32 : i32, i32
  }
  func.func @transform_7(%arg0: i32) -> (i32, i32) {
    %c0_i32 = arith.constant 0 : i32
    %c0_i32_0 = arith.constant 0 : i32
    return %arg0, %c0_i32 : i32, i32
  }
  func.func @transform_8(%arg0: i32) -> (i32, i32) {
    %c0_i32 = arith.constant 0 : i32
    %c0_i32_0 = arith.constant 0 : i32
    return %arg0, %c0_i32 : i32, i32
  }
  func.func @transform_9(%arg0: i32) -> (i32, i32) {
    %c0_i32 = arith.constant 0 : i32
    %c0_i32_0 = arith.constant 0 : i32
    %c0_i32_1 = arith.constant 0 : i32
    return %c0_i32, %c0_i32_0 : i32, i32
  }
  func.func @transform_10(%arg0: i32) -> (i32, i32) {
    %c0_i32 = arith.constant 0 : i32
    %c0_i32_0 = arith.constant 0 : i32
    %c0_i32_1 = arith.constant 0 : i32
    return %c0_i32, %c0_i32_0 : i32, i32
  }
  func.func @transform_11(%arg0: i32) -> (i32, i32) {
    %c0_i32 = arith.constant 0 : i32
    %c0_i32_0 = arith.constant 0 : i32
    return %arg0, %c0_i32 : i32, i32
  }
}

</mosaic_0001>

<sc_bundles>
// kernel: kernel.6.cloned.1.call-start
scs
__scs_entry_jumppad:
0x0: {  	(pc) =	sbr.rel $0x88, $3  }
0x1: {  	(tag) =	ssettag $0x0;
	lr =	simm.s32 $0x1  }
0x2: {  	[smem:$0x3F96] =	sst lr;
	_ =	strace $0xD0000000  }
0x3: {  	_ = 	snop  }
0x4: {  	_ = 	snop  }
0x5: {  	_ = 	snop  }
0x6: {  	_ = 	snop  }
0x7: {  	_ = 	snop  }
__scs_overlays_trampoline_lowered:
0x8: {  	[smem:$0x3FA5] =	sst s0  }
0x9: {  	[smem:$0x3FA6] =	sst s1  }
0xa: {  	[smem:$0x3FA7] =	sst s2  }
0xb: {  	[smem:$0x3FA8] =	sst s3  }
0xc: {  	[smem:$0x3FA9] =	sst s4  }
0xd: {  	[smem:$0x3FAA] =	sst s5  }
0xe: {  	[smem:$0x3FAB] =	sst s6  }
0xf: {  	[smem:$0x3FAC] =	sst s7  }
0x10: {  	[smem:$0x3FAD] =	sst s8  }
0x11: {  	[smem:$0x3FAE] =	sst s9;
	s0 =	simm.s32 @!p0 $0x0  }
0x12: {  	s1 =	sld [smem:$0x3F94];
	s0 =	simm.s32 @p0 $0x1  }
0x13: {  	[smem:$0x3FAF] =	sst s0;
	s0 =	simm.s32 @!p1 $0x0  }
0x14: {  	s2 =	sld [smem:$0x3F93];
	s0 =	simm.s32 @p1 $0x1  }
0x15: {  	[smem:$0x3FB0] =	sst s0;
	s0 =	simm.s32 @!p2 $0x0  }
0x16: {  	s3 =	sld [smem:$0x3FDB];
	s0 =	simm.s32 @p2 $0x1  }
0x17: {  	s4 =	simm.s32 $0x1BF5;
	[smem:$0x3FB2] =	sst s0  }
0x18: {  	s0 =	sld [smem:$0x3F95];
	_ =	swait.ge [sflag:s4], $0x0  }
0x19: {  	s7 =	sld [smem:$0x3F96]  }
0x1a: {  	s8 =	sadd.s32 $0xFFFFE003, lr  }
0x1b: {  	s9 =	sadd.s32 $0xFFFFFEF7, lr;
	s5 =	simm.s32 $0xFFFFFFFF;
	p2 =	slt.u32 s8, $0xFFFFF086  }
0x1c: {  	p1 =	slt.u32 s9, $0xF7A;
	s5 =	simm.s32 @!p2 $0x0  }
0x1d: {  	s5 =	simm.s32 @p1 $0x1;
	p0 =	seq.s32 s7, s2  }
0x1e: {  	s7 =	smul.u32 @!p0 $0xF7A, s2;
	p2 =	seq.s32 @!p0 s5, $0x0  }
0x1f: {  	s9 =	smul.u32 $0xF7A, s1;
	s8 =	simm.s32 @!p0 $0x1BF5;
	p2 =	por !p2, p0  }
0x20: {  	[sflag:s8] =	ssyncset.s32 @!p0 $0xFFFFF086;
	s6 =	sadd.s32 @!p0 s3, s7;
	s7 =	simm.s32 @!p0 $0x108  }
0x21: {  	s3 =	sadd.s32 s3, s9;
	s6 =	sadd.s32 @!p0 $0x88, s6;
	s7 =	simm.s32 @p2 $0x1082  }
0x22: {  	[simem:s7], [sflag:s8] =	dma.local @!p0 [hbm:s6], $0xF7A  }
0x23: {  	s9 =	sor.u32 $0xD0000000, s2;
	s6 =	simm.s32 $0x108;
	_ =	swait.ge @!p0 [sflag:s8], $0x0  }
0x24: {  	s3 =	sadd.s32 $0x88, s3;
	s6 =	simm.s32 @!p1 $0x1082;
	[sflag:s4] =	ssyncset.s32 $0xFFFFF086  }
0x25: {  	[simem:s6], [sflag:s4] =	dma.local [hbm:s3], $0xF7A  }
0x26: {  	[smem:$0x3F96] =	sst s1;
	(tag) =	ssettag s2;
	_ =	strace s9  }
0x27: {  	s1 =	sld [smem:$0x3FA6]  }
0x28: {  	s2 =	sld [smem:$0x3FA7]  }
0x29: {  	s4 =	sld [smem:$0x3FA9]  }
0x2a: {  	p0 =	seq.s32 s5, $0x0;
	s5 =	sld [smem:$0x3FAA]  }
0x2b: {  	s6 =	sld [smem:$0x3FAB]  }
0x2c: {  	s7 =	sld [smem:$0x3FAC]  }
0x2d: {  	s3 =	simm.s32 $0x108;
	s8 =	sld [smem:$0x3FAD]  }
0x2e: {  	s3 =	simm.s32 @!p0 $0x1082;
	s9 =	sld [smem:$0x3FAE]  }
0x2f: {  	lr =	sadd.s32 s0, s3;
	s0 =	sld [smem:$0x3FA5]  }
0x30: {  	s3 =	sld [smem:$0x3FA8]  }
0x31: {  	[smem:$0x3FB1] =	sst s10  }
0x32: {  	s10 =	sld [smem:$0x3FAF];
	_ =	sdelay $0x3  }
0x33: {  	p0 =	seq.s32 s10, $0x1;
	s10 =	sld [smem:$0x3FB1];
	_ =	sdelay $0x3  }
0x34: {  	[smem:$0x3FB1] =	sst s10  }
0x35: {  	s10 =	sld [smem:$0x3FB0];
	_ =	sdelay $0x3  }
0x36: {  	p1 =	seq.s32 s10, $0x1;
	s10 =	sld [smem:$0x3FB1];
	_ =	sdelay $0x3  }
0x37: {  	[smem:$0x3FB1] =	sst s10  }
0x38: {  	s10 =	sld [smem:$0x3FB2]  }
0x39: {  	_ = 	snop;
	(pc) =	sbr.ind lr, $3  }
0x3a: {  	_ = 	snop  }
0x3b: {  	_ = 	snop  }
0x3c: {  	p2 =	seq.s32 s10, $0x1;
	s10 =	sld [smem:$0x3FB1]  }
0x3d: {  	_ =	shalt  }
0x3e: {  	_ =	shalt  }
0x3f: {  	_ =	shalt  }
0x40: {  	_ =	shalt  }
0x41: {  	_ =	shalt  }
0x42: {  	_ =	shalt  }
0x43: {  	_ =	shalt  }
0x44: {  	_ =	shalt  }
0x45: {  	_ =	shalt  }
0x46: {  	_ =	shalt  }
0x47: {  	_ =	shalt  }
0x48: {  	_ =	shalt  }
0x49: {  	_ =	shalt  }
0x4a: {  	_ =	shalt  }
0x4b: {  	_ =	shalt  }
0x4c: {  	_ =	shalt  }
0x4d: {  	_ =	shalt  }
0x4e: {  	_ =	shalt  }
0x4f: {  	_ =	shalt  }
0x50: {  	_ =	shalt  }
0x51: {  	_ =	shalt  }
0x52: {  	_ =	shalt  }
0x53: {  	_ =	shalt  }
0x54: {  	_ =	shalt  }
0x55: {  	_ =	shalt  }
0x56: {  	_ =	shalt  }
0x57: {  	_ =	shalt  }
0x58: {  	_ =	shalt  }
0x59: {  	_ =	shalt  }
0x5a: {  	_ =	shalt  }
0x5b: {  	_ =	shalt  }
0x5c: {  	_ =	shalt  }
0x5d: {  	_ =	shalt  }
0x5e: {  	_ =	shalt  }
0x5f: {  	_ =	shalt  }
0x60: {  	_ =	shalt  }
0x61: {  	_ =	shalt  }
0x62: {  	_ =	shalt  }
0x63: {  	_ =	shalt  }
0x64: {  	_ =	shalt  }
0x65: {  	_ =	shalt  }
0x66: {  	_ =	shalt  }
0x67: {  	_ =	shalt  }
0x68: {  	_ =	shalt  }
0x69: {  	_ =	shalt  }
0x6a: {  	_ =	shalt  }
0x6b: {  	_ =	shalt  }
0x6c: {  	_ =	shalt  }
0x6d: {  	_ =	shalt  }
0x6e: {  	_ =	shalt  }
0x6f: {  	_ =	shalt  }
0x70: {  	_ =	shalt  }
0x71: {  	_ =	shalt  }
0x72: {  	_ =	shalt  }
0x73: {  	_ =	shalt  }
0x74: {  	_ =	shalt  }
0x75: {  	_ =	shalt  }
0x76: {  	_ =	shalt  }
0x77: {  	_ =	shalt  }
0x78: {  	_ =	shalt  }
0x79: {  	_ =	shalt  }
0x7a: {  	_ =	shalt  }
0x7b: {  	_ =	shalt  }
0x7c: {  	_ =	shalt  }
0x7d: {  	_ =	shalt  }
0x7e: {  	_ =	shalt  }
0x7f: {  	_ =	shalt  }
0x80: {  	_ =	shalt  }
0x81: {  	_ =	shalt  }
0x82: {  	_ =	shalt  }
0x83: {  	_ =	shalt  }
0x84: {  	_ =	shalt  }
0x85: {  	_ =	shalt  }
0x86: {  	_ =	shalt  }
0x87: {  	_ =	shalt  }
.Lfunc_end0:
.L_simem_size_0:
called_computation_lowered:
.L_overlay_start_0:
0x88: {  	s2 =	sld [smem:$0x3FD9]  }
0x89: {  	s3 =	sld [smem:$0x3FFE];
	_ =	sdelay $0x1  }
0x8a: {  	s1 =	srdreg.scid  }
0x8b: {  	s0 =	sand.u32 $0x1, s1  }
0x8c: {  	s16 =	sshll.u32 s0, $0xA;
	s2 =	sadd.s32 s3, s2  }
0x8d: {  	s2 =	sadd.s32 s2, s16  }
0x8e: {  	[smem:$0x3FBD] =	sst s2  }
0x8f: {  	_ = 	snop  }
0x90: {  	(tm) =	ssettm $0x1  }
0x91: {  	s17 =	sld [smem:$0x3FFB];
	_ =	sdelay $0x3  }
0x92: {  	_ =	strace s17  }
0x93: {  	s2 =	sld [smem:$0x3FFC];
	_ =	sdelay $0x3  }
0x94: {  	_ =	strace s2  }
0x95: {  	s2 =	sld [smem:$0x3FFD];
	_ =	sdelay $0x3  }
0x96: {  	_ =	strace s2  }
0x97: {  	_ =	strace $0x8FFFFFFF  }
0x98: {  	s18 =	sld [smem:$0x3FDB];
	_ =	sdelay $0x1  }
0x99: {  	s19 =	simm.s32 $_scs_section_size  }
0x9a: {  	s4 =	simm.s32 $_size__tile_overlayer_lowered;
	s5 =	simm.s32 $_tile_overlayer_lowered  }
0x9b: {  	s22 =	simm.s32 $0x1BFF;
	s21 =	sshll.u32 s5, $0x1;
	s2 =	sadd.s32 s19, s18  }
0x9c: {  	s6 =	simm.s32 $0x0;
	s20 =	sshll.u32 s4, $0x1;
	s4 =	sadd.s32 s21, s2  }
0x9d: {  	[timem:s6], [sflag:s22] =	dma.local [hbm:s4], s20  }
0x9e: {  	_ =	swait.ge [sflag:s22], s20  }
0x9f: {  	s3 =	ssub.s32 $0x0, s20;
	[sflag:s22] =	ssyncset.done $0x0  }
0xa0: {  	[sflag:s22] =	ssyncadd.s32 s3;
	_ =	sdelay $0x1  }
0xa1: {  	s23 =	simm.s32 $0x1B8B  }
0xa2: {  	_ =	swait.ge [sflag:s23], $0x1  }
0xa3: {  	[sflag:s23] =	ssyncset.done $0x0  }
0xa4: {  	s25 =	simm.s32 $0x1B8E;
	s24 =	sld [smem:$0x3FFE];
	[sflag:s23] =	ssyncadd.s32 $0xFFFFFFFF  }
0xa5: {  	s26 =	simm.s32 $execute0_lowered;
	[smem:$0x3FD2] =	sst s25  }
0xa6: {  	s4 =	sshll.u32 s26, $0x1;
	_ =	strace $0x80000046;
	[dreg:$0x1] =	wrdreg $0xFFFFFFFF  }
0xa7: {  	s28 =	simm.s32 $_size_execute0_lowered;
	s2 =	sadd.s32 s2, s4;
	[dreg:$0x0] =	wrdreg $0x0  }
0xa8: {  	s4 =	sshll.u32 s28, $0x1;
	[dreg:$0x2] =	wrdreg s2  }
0xa9: {  	[dreg:$0x3] =	wrdreg s4  }
0xaa: {  	[dreg:$0x4] =	wrdreg $0xC0  }
0xab: {  	_ =	task [dreg:s6], $0x5FFFF  }
0xac: {  	[dreg:$0x1] =	wrdreg $0xFFFFFFFF  }
0xad: {  	[dreg:$0x0] =	wrdreg $0x60  }
0xae: {  	[dreg:$0x2] =	wrdreg s24  }
0xaf: {  	[dreg:$0x3] =	wrdreg $0x9  }
0xb0: {  	_ =	task.clear_ibuf [dreg:s6], $0x4FFFF;
	_ =	strace $0x90000046  }
0xb1: {  	s29 =	simm.s32 $0x9;
	_ =	strace $0x80000048  }
0xb2: {  	_ =	swait.ge [sflag:s29], $0x1  }
0xb3: {  	[sflag:s29] =	ssyncadd.s32 $0xFFFFFFFF  }
0xb4: {  	_ =	strace $0x90000048  }
0xb5: {  	_ =	sfence  }
0xb6: {  	s30 =	sld [smem:$0x0];
	_ =	sdelay $0x2  }
0xb7: {  	s31 =	sshll.u32 s1, $0xD;
	s1 =	sshrl.u32 s1, $0x2  }
0xb8: {  	s3 =	sand.u32 $0x4000, s31;
	s1 =	sadd.s32 s1, s30  }
0xb9: {  	s0 =	sor.u32 s3, s0;
	s1 =	sshll.u32 s1, $0x11  }
0xba: {  	s0 =	sor.u32 s1, s0  }
0xbb: {  	s0 =	sadd.s32 $0x8F2B, s0  }
0xbc: {  	[sflag:s0] =	ssyncadd.remote.s32 $0x1  }
0xbd: {  	_ =	sfence.sel $0xFFFF  }
0xbe: {  	[dreg:$0x0] =	wrdreg $0xFFFFFFFF;
	(pc) =	sbr.abs _section_cstart, $3  }
0xbf: {  	[dreg:$0x1] =	wrdreg $0xFFFFFFFF  }
0xc0: {  	_ =	task.clear_ibuf [dreg:s6], $0x2FFFF;
	_ =	strace $0x9FFFFFFF  }
0xc1: {  	(tm) =	ssettm $0x7FFFFFFF  }
tec
execute0_lowered:
.L_overlay_start_1:
0x0: {  	(tag) =	ssettag $0x1  }
0x1: {  	s4 =	rddreg [dreg:$0x0]  }
0x2: {  	s0 =	rddreg [dreg:$0x1]  }
0x3: {  	s3 =	srdreg.scid;
	s1 =	stileid.u32;
	s2 =	simm.s32 $0x0  }
0x4: {  	s10 =	simm.s32 $0x1080;
	s11 =	simm.s32 $0x1880;
	s12 =	simm.s32 $0x2080  }
0x5: {  	s13 =	simm.s32 $0x2880;
	s14 =	simm.s32 $0x3080;
	s15 =	simm.s32 $0x3880  }
0x6: {  	s16 =	simm.s32 $0x4080;
	s17 =	simm.s32 $0x4880;
	s18 =	simm.s32 $0x5080  }
0x7: {  	s19 =	simm.s32 $0x5880;
	s20 =	simm.s32 $0x6080;
	s21 =	simm.s32 $0x6880  }
0x8: {  	s22 =	simm.s32 $0x1;
	s23 =	simm.s32 $0x0;
	s6 =	smul.u32 $0xC40, s1  }
0x9: {  	s5 =	sand.u32 $0x1, s3;
	[smem:$0x7FF] =	sst s2;
	s8 =	smul.u32 $0x18800, s1  }
0xa: {  	s3 =	sadd.s32 $0x2600, s4;
	s7 =	smul.u32 $0x620, s5;
	s9 =	ssub.s32 $0x2, s5  }
0xb: {  	_ =	strace $0x80000047;
	s5 =	smul.u32 $0xC400, s5;
	s31 =	sshrl.u32 s9, $0x1  }
0xc: {  	s30 =	sadd.s32 s8, s4;
	s6 =	sadd.s32 s7, s6;
	s8 =	ssub.s32 s9, s31  }
0xd: {  	v2 =	vlaneseq.u32;
	s5 =	sadd.s32 s5, s30;
	s7 =	simm.s32 $0x2;
	s6 =	sshrl.u32 s6, $0x3  }
0xe: {  	vm0 =	vmmov $0xffff;
	v1 =	vshrl.u32 v2, $0x3;
	s9 =	simm.s32 $0x880;
	s5 =	sadd.s32 $0x189000, s5;
	s6 =	sadd.s32 s6, s4  }
0xf: {  	v0 =	vand.u32 $0x7, v2;
	v2 =	vor.u32 $0x8, v2;
	v1 =	vmul.u32 $0x8, v1;
	s4 =	smax.u32 s8, $0x1;
	s8 =	simm.s32 $0x80;
	s6 =	sadd.s32 $0xC00, s6  }
.LBB2_1:
0x10: {  	s24 =	smov.u32 s5;
	s25 =	simm.s32 $0x0  }
.LBB2_2:
0x11: {  	s26 =	sadd.s32 s25, s6  }
0x12: {  	[tilespmem:s2], [sflag:$0x2] =	stream.linear.gather [hbm4b:s26+s2], $0x70, $0x38;
	[tilespmem:$0x7080] =	vst v63  }
0x13: {  	_ =	swait.ge [sflag:s7], $0x70  }
0x14: {  	[sflag:s7] =	ssyncset.done $0x0  }
0x15: {  	[sflag:s7] =	ssyncadd.s32 $0xFFFFFF90  }
0x16: {  	v3 =	vld [tilespmem:$0x0];
	_ =	sdelay $0x4  }
0x17: {  	v4 =	vshll.u32 v3, $0x1  }
0x18: {  	v3 =	vand.u32 $0x7, v3;
	v4 =	vand.u32 $0xFFFFFFF0, v4  }
0x19: {  	v3 =	vor.u32 v3, v4  }
0x1a: {  	v4 =	vperm.xlane v3, v0;
	_ =	sdelay $0x1  }
0x1b: {  	v3 =	vperm.xlane v3, v2;
	v4 =	vadd.s32 v1, v4;
	_ =	sdelay $0x1  }
0x1c: {  	v3 =	vadd.s32 v1, v3;
	_ =	sdelay $0x2  }
0x1d: {  	[tilespmem:s8], [sflag:$0x1] =	stream.indirect_vreg.gather [hbm4b:s3+s2], $0x80, v4, vm0, $0xb8;
	[tilespmem:$0x7080] =	vst v63  }
0x1e: {  	_ = 	snop  }
0x1f: {  	[tilespmem:s9], [sflag:$0x1] =	stream.indirect_vreg.gather [hbm4b:s3+s2], $0x80, v3, vm0, $0xb8;
	[tilespmem:$0x7080] =	vst v63  }
0x20: {  	v3 =	vld [tilespmem:$0x10];
	_ =	sdelay $0x4  }
0x21: {  	v58 =	vshll.u32 v3, $0x1  }
0x22: {  	v3 =	vand.u32 $0x7, v3;
	v4 =	vand.u32 $0xFFFFFFF0, v58  }
0x23: {  	v3 =	vor.u32 v3, v4  }
0x24: {  	v4 =	vperm.xlane v3, v0;
	_ =	sdelay $0x1  }
0x25: {  	v3 =	vperm.xlane v3, v2;
	v4 =	vadd.s32 v1, v4;
	_ =	sdelay $0x1  }
0x26: {  	v3 =	vadd.s32 v1, v3;
	_ =	sdelay $0x2  }
0x27: {  	[tilespmem:s10], [sflag:$0x1] =	stream.indirect_vreg.gather [hbm4b:s3+s2], $0x80, v4, vm0, $0xb8;
	[tilespmem:$0x7080] =	vst v63  }
0x28: {  	_ = 	snop  }
0x29: {  	[tilespmem:s11], [sflag:$0x1] =	stream.indirect_vreg.gather [hbm4b:s3+s2], $0x80, v3, vm0, $0xb8;
	[tilespmem:$0x7080] =	vst v63  }
0x2a: {  	v3 =	vld [tilespmem:$0x20];
	_ =	sdelay $0x4  }
0x2b: {  	v59 =	vshll.u32 v3, $0x1  }
0x2c: {  	v3 =	vand.u32 $0x7, v3;
	v4 =	vand.u32 $0xFFFFFFF0, v59  }
0x2d: {  	v3 =	vor.u32 v3, v4  }
0x2e: {  	v4 =	vperm.xlane v3, v0;
	_ =	sdelay $0x1  }
0x2f: {  	v3 =	vperm.xlane v3, v2;
	v4 =	vadd.s32 v1, v4;
	_ =	sdelay $0x1  }
0x30: {  	v3 =	vadd.s32 v1, v3;
	_ =	sdelay $0x2  }
0x31: {  	[tilespmem:s12], [sflag:$0x1] =	stream.indirect_vreg.gather [hbm4b:s3+s2], $0x80, v4, vm0, $0xb8;
	[tilespmem:$0x7080] =	vst v63  }
0x32: {  	_ = 	snop  }
0x33: {  	[tilespmem:s13], [sflag:$0x1] =	stream.indirect_vreg.gather [hbm4b:s3+s2], $0x80, v3, vm0, $0xb8;
	[tilespmem:$0x7080] =	vst v63  }
0x34: {  	v3 =	vld [tilespmem:$0x30];
	_ =	sdelay $0x4  }
0x35: {  	v60 =	vshll.u32 v3, $0x1  }
0x36: {  	v3 =	vand.u32 $0x7, v3;
	v4 =	vand.u32 $0xFFFFFFF0, v60  }
0x37: {  	v3 =	vor.u32 v3, v4  }
0x38: {  	v4 =	vperm.xlane v3, v0;
	_ =	sdelay $0x1  }
0x39: {  	v3 =	vperm.xlane v3, v2;
	v4 =	vadd.s32 v1, v4;
	_ =	sdelay $0x1  }
0x3a: {  	v3 =	vadd.s32 v1, v3;
	_ =	sdelay $0x2  }
0x3b: {  	[tilespmem:s14], [sflag:$0x1] =	stream.indirect_vreg.gather [hbm4b:s3+s2], $0x80, v4, vm0, $0xb8;
	[tilespmem:$0x7080] =	vst v63  }
0x3c: {  	_ = 	snop  }
0x3d: {  	[tilespmem:s15], [sflag:$0x1] =	stream.indirect_vreg.gather [hbm4b:s3+s2], $0x80, v3, vm0, $0xb8;
	[tilespmem:$0x7080] =	vst v63  }
0x3e: {  	v3 =	vld [tilespmem:$0x40];
	_ =	sdelay $0x4  }
0x3f: {  	v61 =	vshll.u32 v3, $0x1  }
0x40: {  	v3 =	vand.u32 $0x7, v3;
	v4 =	vand.u32 $0xFFFFFFF0, v61  }
0x41: {  	v3 =	vor.u32 v3, v4  }
0x42: {  	v4 =	vperm.xlane v3, v0;
	_ =	sdelay $0x1  }
0x43: {  	v3 =	vperm.xlane v3, v2;
	v4 =	vadd.s32 v1, v4;
	_ =	sdelay $0x1  }
0x44: {  	v3 =	vadd.s32 v1, v3;
	_ =	sdelay $0x2  }
0x45: {  	[tilespmem:s16], [sflag:$0x1] =	stream.indirect_vreg.gather [hbm4b:s3+s2], $0x80, v4, vm0, $0xb8;
	[tilespmem:$0x7080] =	vst v63  }
0x46: {  	_ = 	snop  }
0x47: {  	[tilespmem:s17], [sflag:$0x1] =	stream.indirect_vreg.gather [hbm4b:s3+s2], $0x80, v3, vm0, $0xb8;
	[tilespmem:$0x7080] =	vst v63  }
0x48: {  	v3 =	vld [tilespmem:$0x50];
	_ =	sdelay $0x4  }
0x49: {  	v62 =	vshll.u32 v3, $0x1  }
0x4a: {  	v3 =	vand.u32 $0x7, v3;
	v4 =	vand.u32 $0xFFFFFFF0, v62  }
0x4b: {  	v3 =	vor.u32 v3, v4  }
0x4c: {  	v4 =	vperm.xlane v3, v0;
	_ =	sdelay $0x1  }
0x4d: {  	v3 =	vperm.xlane v3, v2;
	v4 =	vadd.s32 v1, v4;
	_ =	sdelay $0x1  }
0x4e: {  	v3 =	vadd.s32 v1, v3;
	_ =	sdelay $0x2  }
0x4f: {  	[tilespmem:s18], [sflag:$0x1] =	stream.indirect_vreg.gather [hbm4b:s3+s2], $0x80, v4, vm0, $0xb8;
	[tilespmem:$0x7080] =	vst v63  }
0x50: {  	_ = 	snop  }
0x51: {  	[tilespmem:s19], [sflag:$0x1] =	stream.indirect_vreg.gather [hbm4b:s3+s2], $0x80, v3, vm0, $0xb8;
	[tilespmem:$0x7080] =	vst v63  }
0x52: {  	v3 =	vld [tilespmem:$0x60];
	_ =	sdelay $0x4  }
0x53: {  	v63 =	vshll.u32 v3, $0x1  }
0x54: {  	v3 =	vand.u32 $0x7, v3;
	v4 =	vand.u32 $0xFFFFFFF0, v63  }
0x55: {  	v3 =	vor.u32 v3, v4  }
0x56: {  	v4 =	vperm.xlane v3, v0;
	_ =	sdelay $0x1  }
0x57: {  	v3 =	vperm.xlane v3, v2;
	v4 =	vadd.s32 v1, v4;
	_ =	sdelay $0x1  }
0x58: {  	v3 =	vadd.s32 v1, v3;
	_ =	sdelay $0x2  }
0x59: {  	[tilespmem:s20], [sflag:$0x1] =	stream.indirect_vreg.gather [hbm4b:s3+s2], $0x80, v4, vm0, $0xb8;
	[tilespmem:$0x7080] =	vst v63  }
0x5a: {  	_ = 	snop  }
0x5b: {  	[tilespmem:s21], [sflag:$0x1] =	stream.indirect_vreg.gather [hbm4b:s3+s2], $0x80, v3, vm0, $0xb8;
	[tilespmem:$0x7080] =	vst v63  }
0x5c: {  	_ =	swait.ge [sflag:s22], $0x7000  }
0x5d: {  	p0 =	sne.s32 s25, $0xB6;
	[sflag:s22] =	ssyncset.done $0x0  }
.Ltmp0:
0x5e: {  	[sflag:s22] =	ssyncadd.s32 $0xFFFF9000;
	(pc) =	sbr.rel @p0 .LBB2_2-.Ltmp0, $4  }
0x5f: {  	[hbm4b:s24+s2] =	stream.linear.scatter [tilespmem:s8], [sflag:$0x2], $0x7000, $0x38;
	[tilespmem:$0x7080] =	vst v63  }
0x60: {  	_ =	swait.ge [sflag:s7], $0x7000  }
0x61: {  	[sflag:s7] =	ssyncset.done $0x0  }
0x62: {  	s25 =	sadd.s32 $0xE, s25;
	s24 =	sadd.s32 $0xE00, s24;
	[sflag:s7] =	ssyncadd.s32 $0xFFFF9000  }
0x63: {  	s23 =	sadd.s32 $0x1, s23  }
0x64: {  	p0 =	sne.s32 s23, s4  }
.Ltmp1:
0x65: {  	_ = 	snop;
	(pc) =	sbr.rel @p0 .LBB2_1-.Ltmp1, $1  }
0x66: {  	_ =	sdelay $0x3  }
0x67: {  	_ =	sfence.sel $0x180000  }
0x68: {  	[bflag:$0x0] =	sbarrier.arrive $0xFFFF  }
0x69: {  	p0 =	sne.s32 s1, $0x0;
	_ =	strace $0x90000047  }
0x6a: {  	s0 =	sadd.s32 @!p0 $0x100000, s0;
	[bflag:$0x2] =	sbarrier.arrive $0xFFFF  }
0x6b: {  	[sflag:s0] =	ssyncadd.tile.s32 @!p0 $0x1;
	_ =	shalt  }
.Lfunc_end2:
_tile_overlayer_lowered:
.L_overlay_start_2:
0x6c: {  	(tag) =	ssettag $0x2  }
0x6d: {  	s0 =	rddreg [dreg:$0x0];
	s2 =	stileid.u32  }
0x6e: {  	s1 =	rddreg [dreg:$0x1];
	p0 =	sne.s32 s2, $0x0  }
0x6f: {  	s3 =	rddreg [dreg:$0x2];
	[bflag:$0x3] =	sbarrier.arrive $0xFFFF;
	s2 =	simm.s32 @!p0 $0x1C02  }
0x70: {  	[timem:s3], [sflag:s2] =	dma.local @!p0 [hbm:s0], s1  }
0x71: {  	s0 =	simm.s32 @!p0 $0x2  }
0x72: {  	_ =	swait.ge @!p0 [sflag:s0], s1  }
0x73: {  	s1 =	ssub.s32 @!p0 $0x0, s1;
	[sflag:s0] =	ssyncset.done @!p0 $0x0  }
0x74: {  	[sflag:s0] =	ssyncadd.s32 @!p0 s1  }
0x75: {  	[bflag:$0x3] =	sbarrier.arrive $0xFFFF  }
0x76: {  	_ =	shalt  }

// kernel: kernel.9.cloned.1.call-start
scs
__scs_entry_jumppad:
0x0: {  	(pc) =	sbr.rel $0x88, $3  }
0x1: {  	(tag) =	ssettag $0x0;
	lr =	simm.s32 $0x1  }
0x2: {  	[smem:$0x3F96] =	sst lr;
	_ =	strace $0xD0000000  }
0x3: {  	_ = 	snop  }
0x4: {  	_ = 	snop  }
0x5: {  	_ = 	snop  }
0x6: {  	_ = 	snop  }
0x7: {  	_ = 	snop  }
__scs_overlays_trampoline_lowered:
0x8: {  	[smem:$0x3FA5] =	sst s0  }
0x9: {  	[smem:$0x3FA6] =	sst s1  }
0xa: {  	[smem:$0x3FA7] =	sst s2  }
0xb: {  	[smem:$0x3FA8] =	sst s3  }
0xc: {  	[smem:$0x3FA9] =	sst s4  }
0xd: {  	[smem:$0x3FAA] =	sst s5  }
0xe: {  	[smem:$0x3FAB] =	sst s6  }
0xf: {  	[smem:$0x3FAC] =	sst s7  }
0x10: {  	[smem:$0x3FAD] =	sst s8  }
0x11: {  	[smem:$0x3FAE] =	sst s9;
	s0 =	simm.s32 @!p0 $0x0  }
0x12: {  	s1 =	sld [smem:$0x3F94];
	s0 =	simm.s32 @p0 $0x1  }
0x13: {  	[smem:$0x3FAF] =	sst s0;
	s0 =	simm.s32 @!p1 $0x0  }
0x14: {  	s2 =	sld [smem:$0x3F93];
	s0 =	simm.s32 @p1 $0x1  }
0x15: {  	[smem:$0x3FB0] =	sst s0;
	s0 =	simm.s32 @!p2 $0x0  }
0x16: {  	s3 =	sld [smem:$0x3FDB];
	s0 =	simm.s32 @p2 $0x1  }
0x17: {  	s4 =	simm.s32 $0x1BF5;
	[smem:$0x3FB2] =	sst s0  }
0x18: {  	s0 =	sld [smem:$0x3F95];
	_ =	swait.ge [sflag:s4], $0x0  }
0x19: {  	s7 =	sld [smem:$0x3F96]  }
0x1a: {  	s8 =	sadd.s32 $0xFFFFE003, lr  }
0x1b: {  	s9 =	sadd.s32 $0xFFFFFEF7, lr;
	s5 =	simm.s32 $0xFFFFFFFF;
	p2 =	slt.u32 s8, $0xFFFFF086  }
0x1c: {  	p1 =	slt.u32 s9, $0xF7A;
	s5 =	simm.s32 @!p2 $0x0  }
0x1d: {  	s5 =	simm.s32 @p1 $0x1;
	p0 =	seq.s32 s7, s2  }
0x1e: {  	s7 =	smul.u32 @!p0 $0xF7A, s2;
	p2 =	seq.s32 @!p0 s5, $0x0  }
0x1f: {  	s9 =	smul.u32 $0xF7A, s1;
	s8 =	simm.s32 @!p0 $0x1BF5;
	p2 =	por !p2, p0  }
0x20: {  	[sflag:s8] =	ssyncset.s32 @!p0 $0xFFFFF086;
	s6 =	sadd.s32 @!p0 s3, s7;
	s7 =	simm.s32 @!p0 $0x108  }
0x21: {  	s3 =	sadd.s32 s3, s9;
	s6 =	sadd.s32 @!p0 $0x88, s6;
	s7 =	simm.s32 @p2 $0x1082  }
0x22: {  	[simem:s7], [sflag:s8] =	dma.local @!p0 [hbm:s6], $0xF7A  }
0x23: {  	s9 =	sor.u32 $0xD0000000, s2;
	s6 =	simm.s32 $0x108;
	_ =	swait.ge @!p0 [sflag:s8], $0x0  }
0x24: {  	s3 =	sadd.s32 $0x88, s3;
	s6 =	simm.s32 @!p1 $0x1082;
	[sflag:s4] =	ssyncset.s32 $0xFFFFF086  }
0x25: {  	[simem:s6], [sflag:s4] =	dma.local [hbm:s3], $0xF7A  }
0x26: {  	[smem:$0x3F96] =	sst s1;
	(tag) =	ssettag s2;
	_ =	strace s9  }
0x27: {  	s1 =	sld [smem:$0x3FA6]  }
0x28: {  	s2 =	sld [smem:$0x3FA7]  }
0x29: {  	s4 =	sld [smem:$0x3FA9]  }
0x2a: {  	p0 =	seq.s32 s5, $0x0;
	s5 =	sld [smem:$0x3FAA]  }
0x2b: {  	s6 =	sld [smem:$0x3FAB]  }
0x2c: {  	s7 =	sld [smem:$0x3FAC]  }
0x2d: {  	s3 =	simm.s32 $0x108;
	s8 =	sld [smem:$0x3FAD]  }
0x2e: {  	s3 =	simm.s32 @!p0 $0x1082;
	s9 =	sld [smem:$0x3FAE]  }
0x2f: {  	lr =	sadd.s32 s0, s3;
	s0 =	sld [smem:$0x3FA5]  }
0x30: {  	s3 =	sld [smem:$0x3FA8]  }
0x31: {  	[smem:$0x3FB1] =	sst s10  }
0x32: {  	s10 =	sld [smem:$0x3FAF];
	_ =	sdelay $0x3  }
0x33: {  	p0 =	seq.s32 s10, $0x1;
	s10 =	sld [smem:$0x3FB1];
	_ =	sdelay $0x3  }
0x34: {  	[smem:$0x3FB1] =	sst s10  }
0x35: {  	s10 =	sld [smem:$0x3FB0];
	_ =	sdelay $0x3  }
0x36: {  	p1 =	seq.s32 s10, $0x1;
	s10 =	sld [smem:$0x3FB1];
	_ =	sdelay $0x3  }
0x37: {  	[smem:$0x3FB1] =	sst s10  }
0x38: {  	s10 =	sld [smem:$0x3FB2]  }
0x39: {  	_ = 	snop;
	(pc) =	sbr.ind lr, $3  }
0x3a: {  	_ = 	snop  }
0x3b: {  	_ = 	snop  }
0x3c: {  	p2 =	seq.s32 s10, $0x1;
	s10 =	sld [smem:$0x3FB1]  }
0x3d: {  	_ =	shalt  }
0x3e: {  	_ =	shalt  }
0x3f: {  	_ =	shalt  }
0x40: {  	_ =	shalt  }
0x41: {  	_ =	shalt  }
0x42: {  	_ =	shalt  }
0x43: {  	_ =	shalt  }
0x44: {  	_ =	shalt  }
0x45: {  	_ =	shalt  }
0x46: {  	_ =	shalt  }
0x47: {  	_ =	shalt  }
0x48: {  	_ =	shalt  }
0x49: {  	_ =	shalt  }
0x4a: {  	_ =	shalt  }
0x4b: {  	_ =	shalt  }
0x4c: {  	_ =	shalt  }
0x4d: {  	_ =	shalt  }
0x4e: {  	_ =	shalt  }
0x4f: {  	_ =	shalt  }
0x50: {  	_ =	shalt  }
0x51: {  	_ =	shalt  }
0x52: {  	_ =	shalt  }
0x53: {  	_ =	shalt  }
0x54: {  	_ =	shalt  }
0x55: {  	_ =	shalt  }
0x56: {  	_ =	shalt  }
0x57: {  	_ =	shalt  }
0x58: {  	_ =	shalt  }
0x59: {  	_ =	shalt  }
0x5a: {  	_ =	shalt  }
0x5b: {  	_ =	shalt  }
0x5c: {  	_ =	shalt  }
0x5d: {  	_ =	shalt  }
0x5e: {  	_ =	shalt  }
0x5f: {  	_ =	shalt  }
0x60: {  	_ =	shalt  }
0x61: {  	_ =	shalt  }
0x62: {  	_ =	shalt  }
0x63: {  	_ =	shalt  }
0x64: {  	_ =	shalt  }
0x65: {  	_ =	shalt  }
0x66: {  	_ =	shalt  }
0x67: {  	_ =	shalt  }
0x68: {  	_ =	shalt  }
0x69: {  	_ =	shalt  }
0x6a: {  	_ =	shalt  }
0x6b: {  	_ =	shalt  }
0x6c: {  	_ =	shalt  }
0x6d: {  	_ =	shalt  }
0x6e: {  	_ =	shalt  }
0x6f: {  	_ =	shalt  }
0x70: {  	_ =	shalt  }
0x71: {  	_ =	shalt  }
0x72: {  	_ =	shalt  }
0x73: {  	_ =	shalt  }
0x74: {  	_ =	shalt  }
0x75: {  	_ =	shalt  }
0x76: {  	_ =	shalt  }
0x77: {  	_ =	shalt  }
0x78: {  	_ =	shalt  }
0x79: {  	_ =	shalt  }
0x7a: {  	_ =	shalt  }
0x7b: {  	_ =	shalt  }
0x7c: {  	_ =	shalt  }
0x7d: {  	_ =	shalt  }
0x7e: {  	_ =	shalt  }
0x7f: {  	_ =	shalt  }
0x80: {  	_ =	shalt  }
0x81: {  	_ =	shalt  }
0x82: {  	_ =	shalt  }
0x83: {  	_ =	shalt  }
0x84: {  	_ =	shalt  }
0x85: {  	_ =	shalt  }
0x86: {  	_ =	shalt  }
0x87: {  	_ =	shalt  }
.Lfunc_end0:
.L_simem_size_0:
called_computation.1_lowered:
.L_overlay_start_0:
0x88: {  	s2 =	sld [smem:$0x3FD9]  }
0x89: {  	s3 =	sld [smem:$0x3FFE];
	_ =	sdelay $0x1  }
0x8a: {  	s1 =	srdreg.scid  }
0x8b: {  	s0 =	sand.u32 $0x1, s1  }
0x8c: {  	s17 =	sshll.u32 s0, $0xA;
	s2 =	sadd.s32 s3, s2  }
0x8d: {  	s2 =	sadd.s32 s2, s17  }
0x8e: {  	[smem:$0x3FBD] =	sst s2  }
0x8f: {  	_ = 	snop  }
0x90: {  	s2 =	sld [smem:$0x3FD0];
	(tm) =	ssettm $0x1  }
0x91: {  	s18 =	sld [smem:$0x3FFB];
	_ =	sdelay $0x3  }
0x92: {  	_ =	strace s18  }
0x93: {  	s3 =	sld [smem:$0x3FFC];
	_ =	sdelay $0x3  }
0x94: {  	_ =	strace s3  }
0x95: {  	s3 =	sld [smem:$0x3FFD];
	_ =	sdelay $0x3  }
0x96: {  	_ =	strace s3  }
0x97: {  	_ =	strace $0x8FFFFFFF  }
0x98: {  	s19 =	sld [smem:$0x3FDB];
	_ =	sdelay $0x1  }
0x99: {  	s4 =	simm.s32 $_scs_section_size  }
0x9a: {  	s5 =	simm.s32 $_size__tile_overlayer_lowered;
	s6 =	simm.s32 $_tile_overlayer_lowered  }
0x9b: {  	s22 =	simm.s32 $0x1BFF;
	s21 =	sshll.u32 s6, $0x1;
	s3 =	sadd.s32 s4, s19  }
0x9c: {  	s7 =	simm.s32 $0x0;
	s20 =	sshll.u32 s5, $0x1;
	s5 =	sadd.s32 s21, s3  }
0x9d: {  	[timem:s7], [sflag:s22] =	dma.local [hbm:s5], s20  }
0x9e: {  	_ =	swait.ge [sflag:s22], s20  }
0x9f: {  	s4 =	ssub.s32 $0x0, s20;
	[sflag:s22] =	ssyncset.done $0x0  }
0xa0: {  	[sflag:s22] =	ssyncadd.s32 s4;
	_ =	sdelay $0x1  }
0xa1: {  	s23 =	simm.s32 $0x1B8B  }
0xa2: {  	_ =	swait.ge [sflag:s23], $0x1  }
0xa3: {  	[sflag:s23] =	ssyncset.done $0x0  }
0xa4: {  	s25 =	simm.s32 $0x1B8E;
	s24 =	sld [smem:$0x3FFE];
	[sflag:s23] =	ssyncadd.s32 $0xFFFFFFFF  }
0xa5: {  	s26 =	simm.s32 $execute0_lowered;
	[smem:$0x3FD2] =	sst s25  }
0xa6: {  	s5 =	sshll.u32 s26, $0x1;
	_ =	strace $0x80000049;
	[dreg:$0x1] =	wrdreg $0xFFFFFFFF  }
0xa7: {  	s28 =	simm.s32 $_size_execute0_lowered;
	s3 =	sadd.s32 s3, s5;
	[dreg:$0x0] =	wrdreg $0x0  }
0xa8: {  	s5 =	sshll.u32 s28, $0x1;
	[dreg:$0x2] =	wrdreg s3  }
0xa9: {  	[dreg:$0x3] =	wrdreg s5  }
0xaa: {  	[dreg:$0x4] =	wrdreg $0xC0  }
0xab: {  	_ =	task [dreg:s7], $0x5FFFF  }
0xac: {  	[dreg:$0x1] =	wrdreg $0xFFFFFFFF  }
0xad: {  	[dreg:$0x0] =	wrdreg $0x60  }
0xae: {  	[dreg:$0x2] =	wrdreg s24  }
0xaf: {  	[dreg:$0x3] =	wrdreg s2  }
0xb0: {  	[dreg:$0x4] =	wrdreg $0x9  }
0xb1: {  	_ =	task.clear_ibuf [dreg:s7], $0x5FFFF;
	_ =	strace $0x90000049  }
0xb2: {  	s29 =	simm.s32 $0x9;
	_ =	strace $0x8000004B  }
0xb3: {  	_ =	swait.ge [sflag:s29], $0x1  }
0xb4: {  	[sflag:s29] =	ssyncadd.s32 $0xFFFFFFFF  }
0xb5: {  	_ =	strace $0x9000004B  }
0xb6: {  	_ =	sfence  }
0xb7: {  	s30 =	sld [smem:$0x0];
	_ =	sdelay $0x2  }
0xb8: {  	s31 =	sshll.u32 s1, $0xD;
	s1 =	sshrl.u32 s1, $0x2  }
0xb9: {  	s3 =	sand.u32 $0x4000, s31;
	s1 =	sadd.s32 s1, s30  }
0xba: {  	s0 =	sor.u32 s3, s0;
	s1 =	sshll.u32 s1, $0x11  }
0xbb: {  	s0 =	sor.u32 s1, s0  }
0xbc: {  	s0 =	sadd.s32 $0x8F2B, s0  }
0xbd: {  	[sflag:s0] =	ssyncadd.remote.s32 $0x1  }
0xbe: {  	_ =	sfence.sel $0xFFFF  }
0xbf: {  	[dreg:$0x0] =	wrdreg $0xFFFFFFFF;
	(pc) =	sbr.abs _section_cstart, $3  }
0xc0: {  	[dreg:$0x1] =	wrdreg $0xFFFFFFFF  }
0xc1: {  	_ =	task.clear_ibuf [dreg:s7], $0x2FFFF;
	_ =	strace $0x9FFFFFFF  }
0xc2: {  	(tm) =	ssettm $0x7FFFFFFF  }
0xc3: {  	_ =	shalt  }
tec
execute0_lowered:
.L_overlay_start_1:
0x0: {  	(tag) =	ssettag $0x1  }
0x1: {  	s3 =	rddreg [dreg:$0x0];
	s0 =	stileid.u32  }
0x2: {  	s1 =	srdreg.scid;
	s6 =	rddreg [dreg:$0x1];
	s2 =	simm.s32 $0x0  }
0x3: {  	s4 =	smul.u32 $0xC400, s0;
	s5 =	sand.u32 $0x1, s1;
	s1 =	rddreg [dreg:$0x2]  }
0x4: {  	s11 =	simm.s32 $0x0;
	[smem:$0x7FF] =	sst s2;
	s8 =	smul.u32 $0xC40, s0  }
0x5: {  	s7 =	smul.u32 $0x6200, s5;
	_ =	strace $0x8000004A;
	s9 =	ssub.s32 $0x2, s5  }
0x6: {  	s5 =	smul.u32 $0x620, s5;
	s4 =	sadd.s32 s4, s3;
	s10 =	sshrl.u32 s9, $0x1  }
0x7: {  	s3 =	sadd.s32 $0xC00, s3;
	s9 =	ssub.s32 s9, s10;
	s7 =	sadd.s32 s7, s4  }
0x8: {  	s8 =	sadd.s32 s5, s8;
	s10 =	simm.s32 $0x1;
	s4 =	smax.u32 s9, $0x1  }
0x9: {  	s5 =	sadd.s32 $0x3D5000, s7;
	s31 =	sshrl.u32 s8, $0x3;
	s7 =	simm.s32 $0x2  }
0xa: {  	s8 =	simm.s32 $0x80;
	s9 =	simm.s32 $0x70;
	s6 =	sadd.s32 s31, s6  }
.LBB2_1:
0xb: {  	s12 =	sadd.s32 $0x0, s6  }
0xc: {  	[tilespmem:s2], [sflag:$0x2] =	stream.linear.gather [hbm4b:s12+s2], $0x70, $0x38;
	[tilespmem:$0x3880] =	vst v63  }
0xd: {  	_ =	swait.ge [sflag:s7], $0x70  }
0xe: {  	[sflag:s7] =	ssyncset.done $0x0  }
0xf: {  	[sflag:s7] =	ssyncadd.s32 $0xFFFFFF90  }
0x10: {  	[tilespmem:s8], [sflag:$0x2] =	stream.linear.gather [hbm4b:s5+s2], $0x3800, $0x38;
	[tilespmem:$0x3880] =	vst v63  }
0x11: {  	_ =	swait.ge [sflag:s7], $0x3800  }
0x12: {  	[sflag:s7] =	ssyncset.done $0x0  }
0x13: {  	[sflag:s7] =	ssyncadd.s32 $0xFFFFC800  }
0x14: {  	[hbm4b:s3+s9] =	stream.indirect.scatter [tilespmem:s8], [sflag:$0x1], $0x80, s2, s9, $0xb8;
	[tilespmem:$0x3880] =	vst v63  }
0x15: {  	s13 =	simm.s32 $0xE;
	_ =	swait.ge [sflag:s10], $0x3800  }
0x16: {  	s14 =	simm.s32 $0x1C;
	s12 =	sadd.s32 $0x700, s5;
	[sflag:s10] =	ssyncset.done $0x0  }
.LBB2_2:
0x17: {  	s15 =	sadd.s32 s13, s6  }
0x18: {  	[sflag:s10] =	ssyncadd.s32 $0xFFFFC800;
	s13 =	smov.u32 s14;
	s16 =	sadd.s32 $0xE, s14  }
0x19: {  	[tilespmem:s2], [sflag:$0x2] =	stream.linear.gather [hbm4b:s15+s2], $0x70, $0x38;
	[tilespmem:$0x3880] =	vst v63  }
0x1a: {  	p0 =	sne.s32 s14, $0xB6;
	_ =	swait.ge [sflag:s7], $0x70  }
0x1b: {  	[sflag:s7] =	ssyncset.done $0x0  }
0x1c: {  	[sflag:s7] =	ssyncadd.s32 $0xFFFFFF90  }
0x1d: {  	[tilespmem:s8], [sflag:$0x2] =	stream.linear.gather [hbm4b:s12+s2], $0x3800, $0x38;
	[tilespmem:$0x3880] =	vst v63  }
0x1e: {  	_ =	swait.ge [sflag:s7], $0x3800  }
.Ltmp0:
0x1f: {  	[sflag:s7] =	ssyncset.done $0x0;
	(pc) =	sbr.rel @p0 .LBB2_2-.Ltmp0, $4  }
0x20: {  	[sflag:s7] =	ssyncadd.s32 $0xFFFFC800  }
0x21: {  	[hbm4b:s3+s9] =	stream.indirect.scatter [tilespmem:s8], [sflag:$0x1], $0x80, s2, s9, $0xb8;
	[tilespmem:$0x3880] =	vst v63  }
0x22: {  	_ =	swait.ge [sflag:s10], $0x3800  }
0x23: {  	s14 =	smov.u32 s16;
	s12 =	sadd.s32 $0x700, s12;
	[sflag:s10] =	ssyncset.done $0x0  }
0x24: {  	s13 =	sadd.s32 s13, s6;
	[sflag:s10] =	ssyncadd.s32 $0xFFFFC800  }
0x25: {  	[tilespmem:s2], [sflag:$0x2] =	stream.linear.gather [hbm4b:s13+s2], $0x70, $0x38;
	[tilespmem:$0x3880] =	vst v63  }
0x26: {  	_ =	swait.ge [sflag:s7], $0x70  }
0x27: {  	[sflag:s7] =	ssyncset.done $0x0  }
0x28: {  	[sflag:s7] =	ssyncadd.s32 $0xFFFFFF90  }
0x29: {  	[tilespmem:s8], [sflag:$0x2] =	stream.linear.gather [hbm4b:s12+s2], $0x3800, $0x38;
	[tilespmem:$0x3880] =	vst v63  }
0x2a: {  	s11 =	sadd.s32 $0x1, s11;
	_ =	swait.ge [sflag:s7], $0x3800  }
0x2b: {  	p0 =	sne.s32 s11, s4;
	[sflag:s7] =	ssyncset.done $0x0  }
.Ltmp1:
0x2c: {  	[sflag:s7] =	ssyncadd.s32 $0xFFFFC800;
	(pc) =	sbr.rel @p0 .LBB2_1-.Ltmp1, $4  }
0x2d: {  	[hbm4b:s3+s9] =	stream.indirect.scatter [tilespmem:s8], [sflag:$0x1], $0x80, s2, s9, $0xb8;
	[tilespmem:$0x3880] =	vst v63  }
0x2e: {  	_ =	swait.ge [sflag:s10], $0x3800  }
0x2f: {  	[sflag:s10] =	ssyncset.done $0x0  }
0x30: {  	[sflag:s10] =	ssyncadd.s32 $0xFFFFC800  }
0x31: {  	_ =	sfence.sel $0x180000  }
0x32: {  	[bflag:$0x0] =	sbarrier.arrive $0xFFFF  }
0x33: {  	p0 =	sne.s32 s0, $0x0;
	_ =	strace $0x9000004A  }
0x34: {  	s0 =	sadd.s32 @!p0 $0x100000, s1;
	[bflag:$0x2] =	sbarrier.arrive $0xFFFF  }
0x35: {  	[sflag:s0] =	ssyncadd.tile.s32 @!p0 $0x1;
	_ =	shalt  }
.Lfunc_end2:
_tile_overlayer_lowered:
.L_overlay_start_2:
0x36: {  	(tag) =	ssettag $0x2  }
0x37: {  	s0 =	rddreg [dreg:$0x0];
	s2 =	stileid.u32  }
0x38: {  	s1 =	rddreg [dreg:$0x1];
	p0 =	sne.s32 s2, $0x0  }
0x39: {  	s3 =	rddreg [dreg:$0x2];
	[bflag:$0x3] =	sbarrier.arrive $0xFFFF;
	s2 =	simm.s32 @!p0 $0x1C02  }
0x3a: {  	[timem:s3], [sflag:s2] =	dma.local @!p0 [hbm:s0], s1  }
0x3b: {  	s0 =	simm.s32 @!p0 $0x2  }
0x3c: {  	_ =	swait.ge @!p0 [sflag:s0], s1  }
0x3d: {  	s1 =	ssub.s32 @!p0 $0x0, s1;
	[sflag:s0] =	ssyncset.done @!p0 $0x0  }
0x3e: {  	[sflag:s0] =	ssyncadd.s32 @!p0 s1  }
0x3f: {  	[bflag:$0x3] =	sbarrier.arrive $0xFFFF  }
0x40: {  	_ =	shalt  }

</sc_bundles>
